<compile_context>
chip_gen: v7x
topology: tpu7x:2x2x1
jax: 0.10.2.dev20260603
libtpu: 0.0.44.dev20260713+nightly
codegen_flags: <defaults>
</compile_context>

<pallas_src>
import functools

import jax
import jax.numpy as jnp
from jax import lax
from jax.experimental import pallas as pl
from jax.experimental.pallas import tpu as pltpu
from jax.experimental.pallas import tpu_sc as plsc

N = 10000
E = 320000
D = 128
G = 64

NC, NS = 2, 16
NW = NC * NS
CH = 80
EPT = E // NW
BLKE = 2000
NBLK = EPT // BLKE
CHD = 128
DBLK = 1024
DFULL = EPT // DBLK
DTAIL = EPT - DFULL * DBLK
DNTC = DTAIL // CHD
DREM = DTAIL - DNTC * CHD
NP = 10240
ZPT = NP // NS

BLK = 2048
GRID = NP // BLK

_SC_CALLS = None


def _get_sc_calls():
    global _SC_CALLS
    if _SC_CALLS is None:
        mesh = plsc.VectorSubcoreMesh(core_axis_name="c", subcore_axis_name="s",
                                      num_cores=NC, num_subcores=NS)
        deg = pl.kernel(
            _deg_body, mesh=mesh,
            out_type=jax.ShapeDtypeStruct((NC, NP, D), jnp.float32),
            scratch_types=[
                pltpu.VMEM((DBLK,), jnp.int32),
                pltpu.VMEM((CHD, D), jnp.float32),
                pltpu.VMEM_SHARED((NP, D), jnp.float32),
                pltpu.SemaphoreType.DMA,
            ],
        )
        conv = pl.kernel(
            _conv_body, mesh=mesh,
            out_type=jax.ShapeDtypeStruct((NC, NP, D), jnp.float32),
            scratch_types=[
                pltpu.VMEM((BLKE,), jnp.int32),
                pltpu.VMEM((BLKE,), jnp.int32),
                pltpu.VMEM((CH, D), jnp.float32),
                pltpu.VMEM((CH, D), jnp.float32),
                pltpu.VMEM_SHARED((NP, D), jnp.float32),
                pltpu.SemaphoreType.DMA,
                pltpu.SemaphoreType.DMA,
                pltpu.SemaphoreType.DMA,
                pltpu.SemaphoreType.DMA,
            ],
        )
        _SC_CALLS = (deg, conv)
    return _SC_CALLS



def _deg_body(dst_hbm, zeros_hbm, ones_hbm, out_hbm, dstv, onesv, acc, sdeg):
    c = lax.axis_index("c")
    s = lax.axis_index("s")
    wid = c * NS + s
    base = wid * EPT
    pltpu.sync_copy(zeros_hbm.at[pl.ds(s * ZPT, ZPT)], acc.at[pl.ds(s * ZPT, ZPT)])
    pltpu.sync_copy(ones_hbm, onesv)
    plsc.subcore_barrier()

    def drain(n):
        def dstep(j, carry2):
            pltpu.make_async_copy(onesv, acc.at[dstv.at[pl.ds(0, CHD)]], sdeg).wait()
            return carry2
        lax.fori_loop(0, n, dstep, 0)

    def sup_step(u, carry):
        pltpu.sync_copy(dst_hbm.at[pl.ds(base + u * DBLK, DBLK)], dstv.at[pl.ds(0, DBLK)])

        def step(j, carry2):
            pltpu.async_copy(onesv, acc.at[dstv.at[pl.ds(j * CHD, CHD)]], sdeg, add=True)
            return carry2

        lax.fori_loop(0, DBLK // CHD, step, carry)
        drain(DBLK // CHD)
        return carry

    lax.fori_loop(0, DFULL, sup_step, 0)
    toff = base + DFULL * DBLK
    pltpu.sync_copy(dst_hbm.at[pl.ds(toff, DTAIL)], dstv.at[pl.ds(0, DTAIL)])

    def tstep(j, carry2):
        pltpu.async_copy(onesv, acc.at[dstv.at[pl.ds(j * CHD, CHD)]], sdeg, add=True)
        return carry2

    lax.fori_loop(0, DNTC, tstep, 0)
    drain(DNTC)
    pltpu.sync_copy(onesv.at[pl.ds(0, DREM)], acc.at[dstv.at[pl.ds(DNTC * CHD, DREM)]], add=True)

    plsc.subcore_barrier()
    pltpu.sync_copy(acc.at[pl.ds(s * ZPT, ZPT)], out_hbm.at[c, pl.ds(s * ZPT, ZPT)])


def _conv_body(hs_hbm, src_hbm, dst_hbm, zeros_hbm, out_hbm,
               srcv, dstv, bufa, bufb, acc, sga, sgb, ssa, ssb):
    c = lax.axis_index("c")
    s = lax.axis_index("s")
    wid = c * NS + s
    base = wid * EPT
    pltpu.sync_copy(zeros_hbm.at[pl.ds(s * ZPT, ZPT)], acc.at[pl.ds(s * ZPT, ZPT)])
    plsc.subcore_barrier()

    def wait_g(buf, sem):
        pltpu.make_async_copy(hs_hbm.at[srcv.at[pl.ds(0, CH)]], buf, sem).wait()

    def wait_s(buf, sem):
        pltpu.make_async_copy(buf, acc.at[dstv.at[pl.ds(0, CH)]], sem).wait()

    def fire_g(buf, sem, j):
        pltpu.async_copy(hs_hbm.at[srcv.at[pl.ds(j * CH, CH)]], buf, sem)

    def fire_s(buf, sem, j):
        pltpu.async_copy(buf, acc.at[dstv.at[pl.ds(j * CH, CH)]], sem, add=True)

    def run_block(nch):
        fire_g(bufa, sga, 0)

        @pl.when(nch > 1)
        def _():
            fire_g(bufb, sgb, 1)

        def step(p, carry2):
            j = p * 2
            wait_g(bufa, sga)
            fire_s(bufa, ssa, j)

            @pl.when(j + 2 < nch)
            def _():
                wait_s(bufa, ssa)
                fire_g(bufa, sga, j + 2)

            @pl.when(j + 1 < nch)
            def _():
                wait_g(bufb, sgb)
                fire_s(bufb, ssb, j + 1)

                @pl.when(j + 3 < nch)
                def _():
                    wait_s(bufb, ssb)
                    fire_g(bufb, sgb, j + 3)

            return carry2

        lax.fori_loop(0, (nch + 1) // 2, step, 0)
        wait_s(bufa, ssa)

        @pl.when(nch > 1)
        def _():
            wait_s(bufb, ssb)

    def sup_step(u, carry):
        pltpu.sync_copy(src_hbm.at[pl.ds(base + u * BLKE, BLKE)], srcv.at[pl.ds(0, BLKE)])
        pltpu.sync_copy(dst_hbm.at[pl.ds(base + u * BLKE, BLKE)], dstv.at[pl.ds(0, BLKE)])
        run_block(BLKE // CH)
        return carry

    lax.fori_loop(0, NBLK, sup_step, 0)

    plsc.subcore_barrier()
    pltpu.sync_copy(acc.at[pl.ds(s * ZPT, ZPT)], out_hbm.at[c, pl.ds(s * ZPT, ZPT)])



def _pre_body(degp, x, w, hs_out, dinv_out):
    deg = degp[0, :, 0:1] + degp[1, :, 0:1] + 1.0
    dinv = lax.rsqrt(deg)
    dinv_out[...] = jnp.broadcast_to(dinv, dinv_out.shape)
    hs_out[...] = jnp.dot(x[...], w[...],
                          preferred_element_type=jnp.float32) * dinv


_pre_call = pl.pallas_call(
    _pre_body,
    grid=(GRID,),
    in_specs=[
        pl.BlockSpec((NC, BLK, D), lambda i: (0, i, 0)),
        pl.BlockSpec((BLK, D), lambda i: (i, 0)),
        pl.BlockSpec((D, D), lambda i: (0, 0)),
    ],
    out_specs=[
        pl.BlockSpec((BLK, D), lambda i: (i, 0)),
        pl.BlockSpec((BLK, 16), lambda i: (i, 0)),
    ],
    out_shape=[
        jax.ShapeDtypeStruct((NP, D), jnp.float32),
        jax.ShapeDtypeStruct((NP, 16), jnp.float32),
    ],
)


def _mid_body(sp, hs, dinv, w, b, out):
    dv = dinv[...][:, 0:1]
    h = jnp.maximum((sp[0] + sp[1] + hs[...]) * dv + b[...], 0.0)
    out[...] = jnp.dot(h, w[...], preferred_element_type=jnp.float32) * dv


_mid_call = pl.pallas_call(
    _mid_body,
    grid=(GRID,),
    in_specs=[
        pl.BlockSpec((NC, BLK, D), lambda i: (0, i, 0)),
        pl.BlockSpec((BLK, D), lambda i: (i, 0)),
        pl.BlockSpec((BLK, 16), lambda i: (i, 0)),
        pl.BlockSpec((D, D), lambda i: (0, 0)),
        pl.BlockSpec((1, D), lambda i: (0, 0)),
    ],
    out_specs=pl.BlockSpec((BLK, D), lambda i: (i, 0)),
    out_shape=jax.ShapeDtypeStruct((NP, D), jnp.float32),
)


def _post_body(sp, hs, dinv, b, batchf, wc, bc, out, sums, counts):
    i = pl.program_id(0)

    @pl.when(i == 0)
    def _():
        sums[...] = jnp.zeros_like(sums)
        counts[...] = jnp.zeros_like(counts)

    dv = dinv[...][:, 0:1]
    h = jnp.maximum((sp[0] + sp[1] + hs[...]) * dv + b[...], 0.0)
    gid = lax.broadcasted_iota(jnp.int32, (BLK, G), 1).astype(jnp.float32)
    onehot = (batchf[...][:, 0:1] == gid).astype(jnp.float32)
    dn = (((0,), (0,)), ((), ()))
    sums[...] += lax.dot_general(onehot, h, dn, preferred_element_type=jnp.float32)
    counts[...] += lax.dot_general(onehot, jnp.ones_like(h), dn,
                                   preferred_element_type=jnp.float32)

    @pl.when(i == pl.num_programs(0) - 1)
    def _():
        g = sums[...] / jnp.maximum(counts[...], 1.0)
        logits = jnp.dot(g, wc[...], preferred_element_type=jnp.float32) + bc[...]
        out[...] = jax.nn.sigmoid(logits)


_post_call = pl.pallas_call(
    _post_body,
    grid=(GRID,),
    in_specs=[
        pl.BlockSpec((NC, BLK, D), lambda i: (0, i, 0)),
        pl.BlockSpec((BLK, D), lambda i: (i, 0)),
        pl.BlockSpec((BLK, 16), lambda i: (i, 0)),
        pl.BlockSpec((1, D), lambda i: (0, 0)),
        pl.BlockSpec((BLK, 16), lambda i: (i, 0)),
        pl.BlockSpec((D, D), lambda i: (0, 0)),
        pl.BlockSpec((1, D), lambda i: (0, 0)),
    ],
    out_specs=pl.BlockSpec((G, D), lambda i: (0, 0)),
    out_shape=jax.ShapeDtypeStruct((G, D), jnp.float32),
    scratch_shapes=[
        pltpu.VMEM((G, D), jnp.float32),
        pltpu.VMEM((G, D), jnp.float32),
    ],
)



def kernel(x, edge_index, batch, W1, b1, W2, b2, Wc, bc):
    src = edge_index[0].astype(jnp.int32)
    dst = edge_index[1].astype(jnp.int32)
    zeros_acc = jnp.zeros((NP, D), jnp.float32)
    ones128 = jnp.ones((CHD, D), jnp.float32)
    xp = jnp.concatenate([x, jnp.zeros((NP - N, D), jnp.float32)])
    bpad = jnp.concatenate([batch.astype(jnp.float32),
                            jnp.full((NP - N,), -1.0, jnp.float32)])
    batchf = jnp.broadcast_to(bpad[:, None], (NP, 16))
    b1r = b1.reshape(1, D)
    b2r = b2.reshape(1, D)
    wcp = jnp.pad(Wc, ((0, 0), (0, D - Wc.shape[1])))
    bcp = jnp.broadcast_to(bc.reshape(1, 1), (1, D))

    deg_call, conv_call = _get_sc_calls()
    degp = deg_call(dst, zeros_acc, ones128)
    hs1, dinv = _pre_call(degp, xp, W1)
    sp1 = conv_call(hs1, src, dst, zeros_acc)
    hs2 = _mid_call(sp1, hs1, dinv, W2, b1r)
    sp2 = conv_call(hs2, src, dst, zeros_acc)
    outp = _post_call(sp2, hs2, dinv, b2r, batchf, wcp, bcp)
    return outp[:, 0:1]

# --- scband reference (transcript-rebuilt; emitter-appended) ---
"""Pipeline reference for scband-gcnclassifier-61787399520542 (READ-ONLY COPY).

The authoritative reference and input builder live on the scoring server;
editing this copy changes nothing except your own understanding.
"""

import jax, jax.numpy as jnp
import numpy as np

N_NODES = 10000
N_EDGES = 320000
D_IN = 128
D_HID = 128
N_GRAPHS = 64


def setup_inputs(seed: int = 0) -> dict:
    key = jax.random.key(seed)
    ks = jax.random.split(key, 10)
    x = jax.random.normal(ks[0], (N_NODES, D_IN), dtype=jnp.float32)
    edge_index = jax.random.randint(ks[1], (2, N_EDGES), 0, N_NODES, dtype=jnp.int64)
    batch = jnp.sort(jax.random.randint(ks[2], (N_NODES,), 0, N_GRAPHS, dtype=jnp.int64))
    # GCNConv weights (glorot-ish scaling)
    W1 = jax.random.normal(ks[3], (D_IN, D_HID), dtype=jnp.float32) * (1.0 / np.sqrt(D_IN))
    b1 = jnp.zeros((D_HID,), dtype=jnp.float32)
    W2 = jax.random.normal(ks[4], (D_HID, D_HID), dtype=jnp.float32) * (1.0 / np.sqrt(D_HID))
    b2 = jnp.zeros((D_HID,), dtype=jnp.float32)
    Wc = jax.random.normal(ks[5], (D_HID, 1), dtype=jnp.float32) * (1.0 / np.sqrt(D_HID))
    bc = jnp.zeros((1,), dtype=jnp.float32)
    return {"x": x, "edge_index": edge_index, "batch": batch,
            "W1": W1, "b1": b1, "W2": W2, "b2": b2, "Wc": Wc, "bc": bc}


def gcn_conv(x, edge_index, W, b, num_nodes):
    # PyG GCNConv: linear transform, add self-loops, symmetric normalization, scatter-add
    h = x @ W
    loop = jnp.arange(num_nodes, dtype=edge_index.dtype)
    src = jnp.concatenate([edge_index[0], loop])
    dst = jnp.concatenate([edge_index[1], loop])
    deg = jnp.zeros((num_nodes,), dtype=h.dtype).at[dst].add(1.0)
    deg_inv_sqrt = jnp.where(deg > 0, jax.lax.rsqrt(jnp.maximum(deg, 1e-12)), 0.0)
    norm = deg_inv_sqrt[src] * deg_inv_sqrt[dst]
    msg = h[src] * norm[:, None]
    out = jnp.zeros((num_nodes, h.shape[1]), dtype=h.dtype).at[dst].add(msg)
    return out + b


def global_mean_pool(x, batch, num_graphs):
    sums = jax.ops.segment_sum(x, batch, num_segments=num_graphs)
    counts = jax.ops.segment_sum(jnp.ones((x.shape[0],), dtype=x.dtype), batch, num_segments=num_graphs)
    return sums / jnp.maximum(counts, 1.0)[:, None]


def reference(x, edge_index, batch, W1, b1, W2, b2, Wc, bc):
    num_nodes = x.shape[0]
    h = jax.nn.relu(gcn_conv(x, edge_index, W1, b1, num_nodes))
    h = jax.nn.relu(gcn_conv(h, edge_index, W2, b2, num_nodes))
    g = global_mean_pool(h, batch, N_GRAPHS)
    return jax.nn.sigmoid(g @ Wc + bc)

if __name__ == "__main__":
    import jax
    _d = setup_inputs()
    print(jax.jit(kernel)(*tuple(_d.values())))

</pallas_src>

<mosaic_0001>
#map = affine_map<(d0, d1) -> (0, 0)>
#map1 = affine_map<(d0, d1) -> (0)>
#map2 = affine_map<(d0, d1) -> (0, 0, 0)>
module attributes {stable_mosaic.version = 14 : i64} {
  func.func @_conv_body(%arg0: i32, %arg1: i32, %arg2: memref<10240x128xf32, #tpu.memory_space<hbm>>, %arg3: memref<320000xi32, #tpu.memory_space<hbm>>, %arg4: memref<320000xi32, #tpu.memory_space<hbm>>, %arg5: memref<10240x128xf32, #tpu.memory_space<hbm>>, %arg6: memref<2x10240x128xf32, #tpu.memory_space<hbm>>, %arg7: memref<2000xi32, #tpu.memory_space<vmem>>, %arg8: memref<2000xi32, #tpu.memory_space<vmem>>, %arg9: memref<80x128xf32, #tpu.memory_space<vmem>>, %arg10: memref<80x128xf32, #tpu.memory_space<vmem>>, %arg11: memref<10240x128xf32, #tpu.memory_space<vmem_shared>>, %arg12: memref<!tpu.dma_semaphore, #tpu.memory_space<semaphore_mem>>, %arg13: memref<!tpu.dma_semaphore, #tpu.memory_space<semaphore_mem>>, %arg14: memref<!tpu.dma_semaphore, #tpu.memory_space<semaphore_mem>>, %arg15: memref<!tpu.dma_semaphore, #tpu.memory_space<semaphore_mem>>) attributes {dimension_semantics = [#tpu.dimension_semantics<core_parallel>, #tpu.dimension_semantics<subcore_parallel>], iteration_bounds = array<i64: 2, 16>, scalar_prefetch = 0 : i64, scratch_operands = 9 : i64, tpu.core_type = #tpu.core_type<sc_vector_subcore>, window_params = [{transform_indices = #map}, {transform_indices = #map1}, {transform_indices = #map1}, {transform_indices = #map}, {transform_indices = #map2}]} {
    %mul3A = arith.constant 16 : i32
    %mul3A_0 = arith.muli %arg0, %mul3A : i32
    %add3A = arith.addi %mul3A_0, %arg1 : i32
    %mul3A_1 = arith.constant 10000 : i32
    %mul3A_2 = arith.muli %add3A, %mul3A_1 : i32
    %mul3A_3 = arith.constant 640 : i32
    %mul3A_4 = arith.muli %arg1, %mul3A_3 : i32
    %mul3A_5 = arith.constant 640 : i32
    %mul3A_6 = arith.muli %arg1, %mul3A_5 : i32
    "tpu.region"() ({
      %run_scoped3A = tpu.sem_alloc : memref<!tpu.dma_semaphore, #tpu.memory_space<semaphore_mem>>
      %dma_start3A = arith.constant 0 : i32
      %dma_start3A_17 = tpu.memref_slice %arg11[%mul3A_6, %dma_start3A] : memref<10240x128xf32, #tpu.memory_space<vmem_shared>> -> memref<640x128xf32, #tpu.memory_space<vmem_shared>>
      %dma_start3A_18 = arith.constant 0 : i32
      %dma_start3A_19 = tpu.memref_slice %arg5[%mul3A_4, %dma_start3A_18] : memref<10240x128xf32, #tpu.memory_space<hbm>> -> memref<640x128xf32, #tpu.memory_space<hbm>>
      tpu.enqueue_dma source(%dma_start3A_19 : memref<640x128xf32, #tpu.memory_space<hbm>>) target(%dma_start3A_17 : memref<640x128xf32, #tpu.memory_space<vmem_shared>>) target_semaphore(%run_scoped3A : memref<!tpu.dma_semaphore, #tpu.memory_space<semaphore_mem>>)
      %dma_wait3A = arith.constant 0 : i32
      %dma_wait3A_20 = tpu.memref_slice %arg11[%mul3A_6, %dma_wait3A] : memref<10240x128xf32, #tpu.memory_space<vmem_shared>> -> memref<640x128xf32, #tpu.memory_space<vmem_shared>>
      %dma_wait3A_21 = arith.constant 0 : i32
      %dma_wait3A_22 = tpu.memref_slice %arg5[%mul3A_4, %dma_wait3A_21] : memref<10240x128xf32, #tpu.memory_space<hbm>> -> memref<640x128xf32, #tpu.memory_space<hbm>>
      tpu.wait_dma2 semaphore(%run_scoped3A : memref<!tpu.dma_semaphore, #tpu.memory_space<semaphore_mem>>) src(%dma_wait3A_22 : memref<640x128xf32, #tpu.memory_space<hbm>>) dst(%dma_wait3A_20 : memref<640x128xf32, #tpu.memory_space<vmem_shared>>)
      tpu.yield
    }) : () -> ()
    %barrier3A = arith.constant 0 : index
    tpu.barrier barrier_id(%barrier3A)
    %scan3A = arith.constant 0 : i32
    %scan3A_7 = arith.constant 0 : i32
    %scan3A_8 = arith.constant 5 : i32
    %scan3A_9 = arith.addi %scan3A_7, %scan3A_8 : i32
    %scan3A_10 = arith.constant 1 : i32
    scf.for %scan3A_17 = %scan3A_7 to %scan3A_9 step %scan3A_10  : i32 {
      %mul3A_18 = arith.constant 2000 : i32
      %mul3A_19 = arith.muli %scan3A_17, %mul3A_18 : i32
      %add3A_20 = arith.addi %mul3A_2, %mul3A_19 : i32
      "tpu.region"() ({
        %run_scoped3A = tpu.sem_alloc : memref<!tpu.dma_semaphore, #tpu.memory_space<semaphore_mem>>
        %dma_start3A_48 = arith.constant 0 : i32
        %dma_start3A_49 = tpu.memref_slice %arg7[%dma_start3A_48] : memref<2000xi32, #tpu.memory_space<vmem>> -> memref<2000xi32, #tpu.memory_space<vmem>>
        %dma_start3A_50 = tpu.memref_slice %arg3[%add3A_20] : memref<320000xi32, #tpu.memory_space<hbm>> -> memref<2000xi32, #tpu.memory_space<hbm>>
        %dma_start3A_51 = arith.constant 0 : i32
        %dma_start3A_52 = tpu.memref_slice %arg7[%dma_start3A_51] : memref<2000xi32, #tpu.memory_space<vmem>> -> memref<2000xi32, #tpu.memory_space<vmem>>
        %dma_start3A_53 = tpu.memref_slice %arg3[%add3A_20] : memref<320000xi32, #tpu.memory_space<hbm>> -> memref<2000xi32, #tpu.memory_space<hbm>>
        tpu.enqueue_dma source(%dma_start3A_53 : memref<2000xi32, #tpu.memory_space<hbm>>) target(%dma_start3A_52 : memref<2000xi32, #tpu.memory_space<vmem>>) target_semaphore(%run_scoped3A : memref<!tpu.dma_semaphore, #tpu.memory_space<semaphore_mem>>)
        %dma_wait3A_54 = arith.constant 0 : i32
        %dma_wait3A_55 = tpu.memref_slice %arg7[%dma_wait3A_54] : memref<2000xi32, #tpu.memory_space<vmem>> -> memref<2000xi32, #tpu.memory_space<vmem>>
        %dma_wait3A_56 = tpu.memref_slice %arg3[%add3A_20] : memref<320000xi32, #tpu.memory_space<hbm>> -> memref<2000xi32, #tpu.memory_space<hbm>>
        %dma_wait3A_57 = arith.constant 0 : i32
        %dma_wait3A_58 = tpu.memref_slice %arg7[%dma_wait3A_57] : memref<2000xi32, #tpu.memory_space<vmem>> -> memref<2000xi32, #tpu.memory_space<vmem>>
        %dma_wait3A_59 = tpu.memref_slice %arg3[%add3A_20] : memref<320000xi32, #tpu.memory_space<hbm>> -> memref<2000xi32, #tpu.memory_space<hbm>>
        tpu.wait_dma2 semaphore(%run_scoped3A : memref<!tpu.dma_semaphore, #tpu.memory_space<semaphore_mem>>) src(%dma_wait3A_59 : memref<2000xi32, #tpu.memory_space<hbm>>) dst(%dma_wait3A_58 : memref<2000xi32, #tpu.memory_space<vmem>>)
        tpu.yield
      }) : () -> ()
      %mul3A_21 = arith.constant 2000 : i32
      %mul3A_22 = arith.muli %scan3A_17, %mul3A_21 : i32
      %add3A_23 = arith.addi %mul3A_2, %mul3A_22 : i32
      "tpu.region"() ({
        %run_scoped3A = tpu.sem_alloc : memref<!tpu.dma_semaphore, #tpu.memory_space<semaphore_mem>>
        %dma_start3A_48 = arith.constant 0 : i32
        %dma_start3A_49 = tpu.memref_slice %arg8[%dma_start3A_48] : memref<2000xi32, #tpu.memory_space<vmem>> -> memref<2000xi32, #tpu.memory_space<vmem>>
        %dma_start3A_50 = tpu.memref_slice %arg4[%add3A_23] : memref<320000xi32, #tpu.memory_space<hbm>> -> memref<2000xi32, #tpu.memory_space<hbm>>
        %dma_start3A_51 = arith.constant 0 : i32
        %dma_start3A_52 = tpu.memref_slice %arg8[%dma_start3A_51] : memref<2000xi32, #tpu.memory_space<vmem>> -> memref<2000xi32, #tpu.memory_space<vmem>>
        %dma_start3A_53 = tpu.memref_slice %arg4[%add3A_23] : memref<320000xi32, #tpu.memory_space<hbm>> -> memref<2000xi32, #tpu.memory_space<hbm>>
        tpu.enqueue_dma source(%dma_start3A_53 : memref<2000xi32, #tpu.memory_space<hbm>>) target(%dma_start3A_52 : memref<2000xi32, #tpu.memory_space<vmem>>) target_semaphore(%run_scoped3A : memref<!tpu.dma_semaphore, #tpu.memory_space<semaphore_mem>>)
        %dma_wait3A_54 = arith.constant 0 : i32
        %dma_wait3A_55 = tpu.memref_slice %arg8[%dma_wait3A_54] : memref<2000xi32, #tpu.memory_space<vmem>> -> memref<2000xi32, #tpu.memory_space<vmem>>
        %dma_wait3A_56 = tpu.memref_slice %arg4[%add3A_23] : memref<320000xi32, #tpu.memory_space<hbm>> -> memref<2000xi32, #tpu.memory_space<hbm>>
        %dma_wait3A_57 = arith.constant 0 : i32
        %dma_wait3A_58 = tpu.memref_slice %arg8[%dma_wait3A_57] : memref<2000xi32, #tpu.memory_space<vmem>> -> memref<2000xi32, #tpu.memory_space<vmem>>
        %dma_wait3A_59 = tpu.memref_slice %arg4[%add3A_23] : memref<320000xi32, #tpu.memory_space<hbm>> -> memref<2000xi32, #tpu.memory_space<hbm>>
        tpu.wait_dma2 semaphore(%run_scoped3A : memref<!tpu.dma_semaphore, #tpu.memory_space<semaphore_mem>>) src(%dma_wait3A_59 : memref<2000xi32, #tpu.memory_space<hbm>>) dst(%dma_wait3A_58 : memref<2000xi32, #tpu.memory_space<vmem>>)
        tpu.yield
      }) : () -> ()
      %dma_start3A = arith.constant 0 : i32
      %dma_start3A_24 = tpu.memref_slice %arg7[%dma_start3A] : memref<2000xi32, #tpu.memory_space<vmem>> -> memref<80xi32, #tpu.memory_space<vmem>>
      %dma_start3A_25 = arith.constant 0 : i32
      %dma_start3A_26 = arith.constant 0 : i32
      %dma_start3A_27 = tpu.memref_slice %arg2[%dma_start3A_25, %dma_start3A_26] : memref<10240x128xf32, #tpu.memory_space<hbm>> -> memref<10240x128xf32, #tpu.memory_space<hbm>>
      tpu.enqueue_indirect_dma source(%dma_start3A_27 : memref<10240x128xf32, #tpu.memory_space<hbm>>) target(%arg9 : memref<80x128xf32, #tpu.memory_space<vmem>>) offsets(%dma_start3A_24 : memref<80xi32, #tpu.memory_space<vmem>>) semaphore(%arg12 : memref<!tpu.dma_semaphore, #tpu.memory_space<semaphore_mem>>)
      %dma_start3A_28 = arith.constant 80 : i32
      %dma_start3A_29 = tpu.memref_slice %arg7[%dma_start3A_28] : memref<2000xi32, #tpu.memory_space<vmem>> -> memref<80xi32, #tpu.memory_space<vmem>>
      %dma_start3A_30 = arith.constant 0 : i32
      %dma_start3A_31 = arith.constant 0 : i32
      %dma_start3A_32 = tpu.memref_slice %arg2[%dma_start3A_30, %dma_start3A_31] : memref<10240x128xf32, #tpu.memory_space<hbm>> -> memref<10240x128xf32, #tpu.memory_space<hbm>>
      tpu.enqueue_indirect_dma source(%dma_start3A_32 : memref<10240x128xf32, #tpu.memory_space<hbm>>) target(%arg10 : memref<80x128xf32, #tpu.memory_space<vmem>>) offsets(%dma_start3A_29 : memref<80xi32, #tpu.memory_space<vmem>>) semaphore(%arg13 : memref<!tpu.dma_semaphore, #tpu.memory_space<semaphore_mem>>)
      %scan3A_33 = arith.constant 0 : i32
      %scan3A_34 = arith.constant 0 : i32
      %scan3A_35 = arith.constant 13 : i32
      %scan3A_36 = arith.addi %scan3A_34, %scan3A_35 : i32
      %scan3A_37 = arith.constant 1 : i32
      scf.for %scan3A_48 = %scan3A_34 to %scan3A_36 step %scan3A_37  : i32 {
        %mul3A_49 = arith.constant 2 : i32
        %mul3A_50 = arith.muli %scan3A_48, %mul3A_49 : i32
        %dma_wait3A_51 = arith.constant 0 : i32
        %dma_wait3A_52 = tpu.memref_slice %arg7[%dma_wait3A_51] : memref<2000xi32, #tpu.memory_space<vmem>> -> memref<80xi32, #tpu.memory_space<vmem>>
        %dma_wait3A_53 = arith.constant 0 : i32
        %dma_wait3A_54 = arith.constant 0 : i32
        %dma_wait3A_55 = tpu.memref_slice %arg2[%dma_wait3A_53, %dma_wait3A_54] : memref<10240x128xf32, #tpu.memory_space<hbm>> -> memref<10240x128xf32, #tpu.memory_space<hbm>>
        tpu.wait_indirect_dma semaphore(%arg12 : memref<!tpu.dma_semaphore, #tpu.memory_space<semaphore_mem>>) src(%dma_wait3A_55 : memref<10240x128xf32, #tpu.memory_space<hbm>>) dst(%arg9 : memref<80x128xf32, #tpu.memory_space<vmem>>)
        %mul3A_56 = arith.constant 80 : i32
        %mul3A_57 = arith.muli %mul3A_50, %mul3A_56 : i32
        %dma_start3A_58 = tpu.memref_slice %arg8[%mul3A_57] : memref<2000xi32, #tpu.memory_space<vmem>> -> memref<80xi32, #tpu.memory_space<vmem>>
        %dma_start3A_59 = arith.constant 0 : i32
        %dma_start3A_60 = arith.constant 0 : i32
        %dma_start3A_61 = tpu.memref_slice %arg11[%dma_start3A_59, %dma_start3A_60] : memref<10240x128xf32, #tpu.memory_space<vmem_shared>> -> memref<10240x128xf32, #tpu.memory_space<vmem_shared>>
        tpu.enqueue_indirect_dma source(%arg9 : memref<80x128xf32, #tpu.memory_space<vmem>>) target(%dma_start3A_61 : memref<10240x128xf32, #tpu.memory_space<vmem_shared>>) offsets(%dma_start3A_58 : memref<80xi32, #tpu.memory_space<vmem>>) semaphore(%arg14 : memref<!tpu.dma_semaphore, #tpu.memory_space<semaphore_mem>>) {add = true}
        %add3A_62 = arith.constant 2 : i32
        %add3A_63 = arith.addi %mul3A_50, %add3A_62 : i32
        %lt3A = arith.constant 25 : i32
        %lt3A_64 = arith.cmpi slt, %add3A_63, %lt3A : i32
        %convert_element_type3A = arith.extui %lt3A_64 : i1 to i32
        %cond3A = arith.constant 0 : i32
        %cond3A_65 = arith.cmpi ne, %convert_element_type3A, %cond3A : i32
        scf.if %cond3A_65 {
          %dma_wait3A_73 = arith.constant 0 : i32
          %dma_wait3A_74 = tpu.memref_slice %arg8[%dma_wait3A_73] : memref<2000xi32, #tpu.memory_space<vmem>> -> memref<80xi32, #tpu.memory_space<vmem>>
          %dma_wait3A_75 = arith.constant 0 : i32
          %dma_wait3A_76 = arith.constant 0 : i32
          %dma_wait3A_77 = tpu.memref_slice %arg11[%dma_wait3A_75, %dma_wait3A_76] : memref<10240x128xf32, #tpu.memory_space<vmem_shared>> -> memref<10240x128xf32, #tpu.memory_space<vmem_shared>>
          tpu.wait_indirect_dma semaphore(%arg14 : memref<!tpu.dma_semaphore, #tpu.memory_space<semaphore_mem>>) src(%arg9 : memref<80x128xf32, #tpu.memory_space<vmem>>) dst(%dma_wait3A_77 : memref<10240x128xf32, #tpu.memory_space<vmem_shared>>)
          %add3A_78 = arith.constant 2 : i32
          %add3A_79 = arith.addi %mul3A_50, %add3A_78 : i32
          %mul3A_80 = arith.constant 80 : i32
          %mul3A_81 = arith.muli %add3A_79, %mul3A_80 : i32
          %dma_start3A_82 = tpu.memref_slice %arg7[%mul3A_81] : memref<2000xi32, #tpu.memory_space<vmem>> -> memref<80xi32, #tpu.memory_space<vmem>>
          %dma_start3A_83 = arith.constant 0 : i32
          %dma_start3A_84 = arith.constant 0 : i32
          %dma_start3A_85 = tpu.memref_slice %arg2[%dma_start3A_83, %dma_start3A_84] : memref<10240x128xf32, #tpu.memory_space<hbm>> -> memref<10240x128xf32, #tpu.memory_space<hbm>>
          tpu.enqueue_indirect_dma source(%dma_start3A_85 : memref<10240x128xf32, #tpu.memory_space<hbm>>) target(%arg9 : memref<80x128xf32, #tpu.memory_space<vmem>>) offsets(%dma_start3A_82 : memref<80xi32, #tpu.memory_space<vmem>>) semaphore(%arg12 : memref<!tpu.dma_semaphore, #tpu.memory_space<semaphore_mem>>)
        } else {
        }
        %add3A_66 = arith.constant 1 : i32
        %add3A_67 = arith.addi %mul3A_50, %add3A_66 : i32
        %lt3A_68 = arith.constant 25 : i32
        %lt3A_69 = arith.cmpi slt, %add3A_67, %lt3A_68 : i32
        %convert_element_type3A_70 = arith.extui %lt3A_69 : i1 to i32
        %cond3A_71 = arith.constant 0 : i32
        %cond3A_72 = arith.cmpi ne, %convert_element_type3A_70, %cond3A_71 : i32
        scf.if %cond3A_72 {
          %dma_wait3A_73 = arith.constant 0 : i32
          %dma_wait3A_74 = tpu.memref_slice %arg7[%dma_wait3A_73] : memref<2000xi32, #tpu.memory_space<vmem>> -> memref<80xi32, #tpu.memory_space<vmem>>
          %dma_wait3A_75 = arith.constant 0 : i32
          %dma_wait3A_76 = arith.constant 0 : i32
          %dma_wait3A_77 = tpu.memref_slice %arg2[%dma_wait3A_75, %dma_wait3A_76] : memref<10240x128xf32, #tpu.memory_space<hbm>> -> memref<10240x128xf32, #tpu.memory_space<hbm>>
          tpu.wait_indirect_dma semaphore(%arg13 : memref<!tpu.dma_semaphore, #tpu.memory_space<semaphore_mem>>) src(%dma_wait3A_77 : memref<10240x128xf32, #tpu.memory_space<hbm>>) dst(%arg10 : memref<80x128xf32, #tpu.memory_space<vmem>>)
          %add3A_78 = arith.constant 1 : i32
          %add3A_79 = arith.addi %mul3A_50, %add3A_78 : i32
          %mul3A_80 = arith.constant 80 : i32
          %mul3A_81 = arith.muli %add3A_79, %mul3A_80 : i32
          %dma_start3A_82 = tpu.memref_slice %arg8[%mul3A_81] : memref<2000xi32, #tpu.memory_space<vmem>> -> memref<80xi32, #tpu.memory_space<vmem>>
          %dma_start3A_83 = arith.constant 0 : i32
          %dma_start3A_84 = arith.constant 0 : i32
          %dma_start3A_85 = tpu.memref_slice %arg11[%dma_start3A_83, %dma_start3A_84] : memref<10240x128xf32, #tpu.memory_space<vmem_shared>> -> memref<10240x128xf32, #tpu.memory_space<vmem_shared>>
          tpu.enqueue_indirect_dma source(%arg10 : memref<80x128xf32, #tpu.memory_space<vmem>>) target(%dma_start3A_85 : memref<10240x128xf32, #tpu.memory_space<vmem_shared>>) offsets(%dma_start3A_82 : memref<80xi32, #tpu.memory_space<vmem>>) semaphore(%arg15 : memref<!tpu.dma_semaphore, #tpu.memory_space<semaphore_mem>>) {add = true}
          %add3A_86 = arith.constant 3 : i32
          %add3A_87 = arith.addi %mul3A_50, %add3A_86 : i32
          %lt3A_88 = arith.constant 25 : i32
          %lt3A_89 = arith.cmpi slt, %add3A_87, %lt3A_88 : i32
          %convert_element_type3A_90 = arith.extui %lt3A_89 : i1 to i32
          %cond3A_91 = arith.constant 0 : i32
          %cond3A_92 = arith.cmpi ne, %convert_element_type3A_90, %cond3A_91 : i32
          scf.if %cond3A_92 {
            %dma_wait3A_93 = arith.constant 0 : i32
            %dma_wait3A_94 = tpu.memref_slice %arg8[%dma_wait3A_93] : memref<2000xi32, #tpu.memory_space<vmem>> -> memref<80xi32, #tpu.memory_space<vmem>>
            %dma_wait3A_95 = arith.constant 0 : i32
            %dma_wait3A_96 = arith.constant 0 : i32
            %dma_wait3A_97 = tpu.memref_slice %arg11[%dma_wait3A_95, %dma_wait3A_96] : memref<10240x128xf32, #tpu.memory_space<vmem_shared>> -> memref<10240x128xf32, #tpu.memory_space<vmem_shared>>
            tpu.wait_indirect_dma semaphore(%arg15 : memref<!tpu.dma_semaphore, #tpu.memory_space<semaphore_mem>>) src(%arg10 : memref<80x128xf32, #tpu.memory_space<vmem>>) dst(%dma_wait3A_97 : memref<10240x128xf32, #tpu.memory_space<vmem_shared>>)
            %add3A_98 = arith.constant 3 : i32
            %add3A_99 = arith.addi %mul3A_50, %add3A_98 : i32
            %mul3A_100 = arith.constant 80 : i32
            %mul3A_101 = arith.muli %add3A_99, %mul3A_100 : i32
            %dma_start3A_102 = tpu.memref_slice %arg7[%mul3A_101] : memref<2000xi32, #tpu.memory_space<vmem>> -> memref<80xi32, #tpu.memory_space<vmem>>
            %dma_start3A_103 = arith.constant 0 : i32
            %dma_start3A_104 = arith.constant 0 : i32
            %dma_start3A_105 = tpu.memref_slice %arg2[%dma_start3A_103, %dma_start3A_104] : memref<10240x128xf32, #tpu.memory_space<hbm>> -> memref<10240x128xf32, #tpu.memory_space<hbm>>
            tpu.enqueue_indirect_dma source(%dma_start3A_105 : memref<10240x128xf32, #tpu.memory_space<hbm>>) target(%arg10 : memref<80x128xf32, #tpu.memory_space<vmem>>) offsets(%dma_start3A_102 : memref<80xi32, #tpu.memory_space<vmem>>) semaphore(%arg13 : memref<!tpu.dma_semaphore, #tpu.memory_space<semaphore_mem>>)
          } else {
          }
        } else {
        }
      }
      %scan3A_38 = arith.constant 13 : i32
      %dma_wait3A = arith.constant 0 : i32
      %dma_wait3A_39 = tpu.memref_slice %arg8[%dma_wait3A] : memref<2000xi32, #tpu.memory_space<vmem>> -> memref<80xi32, #tpu.memory_space<vmem>>
      %dma_wait3A_40 = arith.constant 0 : i32
      %dma_wait3A_41 = arith.constant 0 : i32
      %dma_wait3A_42 = tpu.memref_slice %arg11[%dma_wait3A_40, %dma_wait3A_41] : memref<10240x128xf32, #tpu.memory_space<vmem_shared>> -> memref<10240x128xf32, #tpu.memory_space<vmem_shared>>
      tpu.wait_indirect_dma semaphore(%arg14 : memref<!tpu.dma_semaphore, #tpu.memory_space<semaphore_mem>>) src(%arg9 : memref<80x128xf32, #tpu.memory_space<vmem>>) dst(%dma_wait3A_42 : memref<10240x128xf32, #tpu.memory_space<vmem_shared>>)
      %dma_wait3A_43 = arith.constant 0 : i32
      %dma_wait3A_44 = tpu.memref_slice %arg8[%dma_wait3A_43] : memref<2000xi32, #tpu.memory_space<vmem>> -> memref<80xi32, #tpu.memory_space<vmem>>
      %dma_wait3A_45 = arith.constant 0 : i32
      %dma_wait3A_46 = arith.constant 0 : i32
      %dma_wait3A_47 = tpu.memref_slice %arg11[%dma_wait3A_45, %dma_wait3A_46] : memref<10240x128xf32, #tpu.memory_space<vmem_shared>> -> memref<10240x128xf32, #tpu.memory_space<vmem_shared>>
      tpu.wait_indirect_dma semaphore(%arg15 : memref<!tpu.dma_semaphore, #tpu.memory_space<semaphore_mem>>) src(%arg10 : memref<80x128xf32, #tpu.memory_space<vmem>>) dst(%dma_wait3A_47 : memref<10240x128xf32, #tpu.memory_space<vmem_shared>>)
    }
    %scan3A_11 = arith.constant 5 : i32
    %barrier3A_12 = arith.constant 0 : index
    tpu.barrier barrier_id(%barrier3A_12)
    %mul3A_13 = arith.constant 640 : i32
    %mul3A_14 = arith.muli %arg1, %mul3A_13 : i32
    %mul3A_15 = arith.constant 640 : i32
    %mul3A_16 = arith.muli %arg1, %mul3A_15 : i32
    "tpu.region"() ({
      %run_scoped3A = tpu.sem_alloc : memref<!tpu.dma_semaphore, #tpu.memory_space<semaphore_mem>>
      %dma_start3A = arith.constant 0 : i32
      %dma_start3A_17 = tpu.memref_slice %arg6[%arg0, %mul3A_16, %dma_start3A] : memref<2x10240x128xf32, #tpu.memory_space<hbm>> -> memref<1x640x128xf32, #tpu.memory_space<hbm>>
      %dma_start3A_18 = tpu.memref_squeeze %dma_start3A_17 : memref<1x640x128xf32, #tpu.memory_space<hbm>> -> memref<640x128xf32, #tpu.memory_space<hbm>>
      %dma_start3A_19 = arith.constant 0 : i32
      %dma_start3A_20 = tpu.memref_slice %arg11[%mul3A_14, %dma_start3A_19] : memref<10240x128xf32, #tpu.memory_space<vmem_shared>> -> memref<640x128xf32, #tpu.memory_space<vmem_shared>>
      tpu.enqueue_dma source(%dma_start3A_20 : memref<640x128xf32, #tpu.memory_space<vmem_shared>>) target(%dma_start3A_18 : memref<640x128xf32, #tpu.memory_space<hbm>>) target_semaphore(%run_scoped3A : memref<!tpu.dma_semaphore, #tpu.memory_space<semaphore_mem>>)
      %dma_wait3A = arith.constant 0 : i32
      %dma_wait3A_21 = tpu.memref_slice %arg6[%arg0, %mul3A_16, %dma_wait3A] : memref<2x10240x128xf32, #tpu.memory_space<hbm>> -> memref<1x640x128xf32, #tpu.memory_space<hbm>>
      %dma_wait3A_22 = tpu.memref_squeeze %dma_wait3A_21 : memref<1x640x128xf32, #tpu.memory_space<hbm>> -> memref<640x128xf32, #tpu.memory_space<hbm>>
      %dma_wait3A_23 = arith.constant 0 : i32
      %dma_wait3A_24 = tpu.memref_slice %arg11[%mul3A_14, %dma_wait3A_23] : memref<10240x128xf32, #tpu.memory_space<vmem_shared>> -> memref<640x128xf32, #tpu.memory_space<vmem_shared>>
      tpu.wait_dma2 semaphore(%run_scoped3A : memref<!tpu.dma_semaphore, #tpu.memory_space<semaphore_mem>>) src(%dma_wait3A_24 : memref<640x128xf32, #tpu.memory_space<vmem_shared>>) dst(%dma_wait3A_22 : memref<640x128xf32, #tpu.memory_space<hbm>>)
      tpu.yield
    }) : () -> ()
    return
  }
}

#map = affine_map<(d0, d1) -> (0, 0)>
#map1 = affine_map<(d0, d1) -> (0)>
#map2 = affine_map<(d0, d1) -> (0, 0, 0)>
module attributes {stable_mosaic.version = 14 : i64} {
  func.func @_conv_body(%arg0: i32, %arg1: i32, %arg2: memref<10240x128xf32, #tpu.memory_space<hbm>>, %arg3: memref<320000xi32, #tpu.memory_space<hbm>>, %arg4: memref<320000xi32, #tpu.memory_space<hbm>>, %arg5: memref<10240x128xf32, #tpu.memory_space<hbm>>, %arg6: memref<2x10240x128xf32, #tpu.memory_space<hbm>>, %arg7: memref<2000xi32, #tpu.memory_space<vmem>>, %arg8: memref<2000xi32, #tpu.memory_space<vmem>>, %arg9: memref<80x128xf32, #tpu.memory_space<vmem>>, %arg10: memref<80x128xf32, #tpu.memory_space<vmem>>, %arg11: memref<10240x128xf32, #tpu.memory_space<vmem_shared>>, %arg12: memref<!tpu.dma_semaphore, #tpu.memory_space<semaphore_mem>>, %arg13: memref<!tpu.dma_semaphore, #tpu.memory_space<semaphore_mem>>, %arg14: memref<!tpu.dma_semaphore, #tpu.memory_space<semaphore_mem>>, %arg15: memref<!tpu.dma_semaphore, #tpu.memory_space<semaphore_mem>>) attributes {dimension_semantics = [#tpu.dimension_semantics<core_parallel>, #tpu.dimension_semantics<subcore_parallel>], iteration_bounds = array<i64: 2, 16>, scalar_prefetch = 0 : i64, scratch_operands = 9 : i64, tpu.core_type = #tpu.core_type<sc_vector_subcore>, window_params = [{transform_indices = #map}, {transform_indices = #map1}, {transform_indices = #map1}, {transform_indices = #map}, {transform_indices = #map2}]} {
    %mul3A = arith.constant 16 : i32
    %mul3A_0 = arith.muli %arg0, %mul3A : i32
    %add3A = arith.addi %mul3A_0, %arg1 : i32
    %mul3A_1 = arith.constant 10000 : i32
    %mul3A_2 = arith.muli %add3A, %mul3A_1 : i32
    %mul3A_3 = arith.constant 640 : i32
    %mul3A_4 = arith.muli %arg1, %mul3A_3 : i32
    %mul3A_5 = arith.constant 640 : i32
    %mul3A_6 = arith.muli %arg1, %mul3A_5 : i32
    "tpu.region"() ({
      %run_scoped3A = tpu.sem_alloc : memref<!tpu.dma_semaphore, #tpu.memory_space<semaphore_mem>>
      %dma_start3A = arith.constant 0 : i32
      %dma_start3A_17 = tpu.memref_slice %arg11[%mul3A_6, %dma_start3A] : memref<10240x128xf32, #tpu.memory_space<vmem_shared>> -> memref<640x128xf32, #tpu.memory_space<vmem_shared>>
      %dma_start3A_18 = arith.constant 0 : i32
      %dma_start3A_19 = tpu.memref_slice %arg5[%mul3A_4, %dma_start3A_18] : memref<10240x128xf32, #tpu.memory_space<hbm>> -> memref<640x128xf32, #tpu.memory_space<hbm>>
      tpu.enqueue_dma source(%dma_start3A_19 : memref<640x128xf32, #tpu.memory_space<hbm>>) target(%dma_start3A_17 : memref<640x128xf32, #tpu.memory_space<vmem_shared>>) target_semaphore(%run_scoped3A : memref<!tpu.dma_semaphore, #tpu.memory_space<semaphore_mem>>)
      %dma_wait3A = arith.constant 0 : i32
      %dma_wait3A_20 = tpu.memref_slice %arg11[%mul3A_6, %dma_wait3A] : memref<10240x128xf32, #tpu.memory_space<vmem_shared>> -> memref<640x128xf32, #tpu.memory_space<vmem_shared>>
      %dma_wait3A_21 = arith.constant 0 : i32
      %dma_wait3A_22 = tpu.memref_slice %arg5[%mul3A_4, %dma_wait3A_21] : memref<10240x128xf32, #tpu.memory_space<hbm>> -> memref<640x128xf32, #tpu.memory_space<hbm>>
      tpu.wait_dma2 semaphore(%run_scoped3A : memref<!tpu.dma_semaphore, #tpu.memory_space<semaphore_mem>>) src(%dma_wait3A_22 : memref<640x128xf32, #tpu.memory_space<hbm>>) dst(%dma_wait3A_20 : memref<640x128xf32, #tpu.memory_space<vmem_shared>>)
      tpu.yield
    }) : () -> ()
    %barrier3A = arith.constant 0 : index
    tpu.barrier barrier_id(%barrier3A)
    %scan3A = arith.constant 0 : i32
    %scan3A_7 = arith.constant 0 : i32
    %scan3A_8 = arith.constant 5 : i32
    %scan3A_9 = arith.addi %scan3A_7, %scan3A_8 : i32
    %scan3A_10 = arith.constant 1 : i32
    scf.for %scan3A_17 = %scan3A_7 to %scan3A_9 step %scan3A_10  : i32 {
      %mul3A_18 = arith.constant 2000 : i32
      %mul3A_19 = arith.muli %scan3A_17, %mul3A_18 : i32
      %add3A_20 = arith.addi %mul3A_2, %mul3A_19 : i32
      "tpu.region"() ({
        %run_scoped3A = tpu.sem_alloc : memref<!tpu.dma_semaphore, #tpu.memory_space<semaphore_mem>>
        %dma_start3A_48 = arith.constant 0 : i32
        %dma_start3A_49 = tpu.memref_slice %arg7[%dma_start3A_48] : memref<2000xi32, #tpu.memory_space<vmem>> -> memref<2000xi32, #tpu.memory_space<vmem>>
        %dma_start3A_50 = tpu.memref_slice %arg3[%add3A_20] : memref<320000xi32, #tpu.memory_space<hbm>> -> memref<2000xi32, #tpu.memory_space<hbm>>
        %dma_start3A_51 = arith.constant 0 : i32
        %dma_start3A_52 = tpu.memref_slice %arg7[%dma_start3A_51] : memref<2000xi32, #tpu.memory_space<vmem>> -> memref<2000xi32, #tpu.memory_space<vmem>>
        %dma_start3A_53 = tpu.memref_slice %arg3[%add3A_20] : memref<320000xi32, #tpu.memory_space<hbm>> -> memref<2000xi32, #tpu.memory_space<hbm>>
        tpu.enqueue_dma source(%dma_start3A_53 : memref<2000xi32, #tpu.memory_space<hbm>>) target(%dma_start3A_52 : memref<2000xi32, #tpu.memory_space<vmem>>) target_semaphore(%run_scoped3A : memref<!tpu.dma_semaphore, #tpu.memory_space<semaphore_mem>>)
        %dma_wait3A_54 = arith.constant 0 : i32
        %dma_wait3A_55 = tpu.memref_slice %arg7[%dma_wait3A_54] : memref<2000xi32, #tpu.memory_space<vmem>> -> memref<2000xi32, #tpu.memory_space<vmem>>
        %dma_wait3A_56 = tpu.memref_slice %arg3[%add3A_20] : memref<320000xi32, #tpu.memory_space<hbm>> -> memref<2000xi32, #tpu.memory_space<hbm>>
        %dma_wait3A_57 = arith.constant 0 : i32
        %dma_wait3A_58 = tpu.memref_slice %arg7[%dma_wait3A_57] : memref<2000xi32, #tpu.memory_space<vmem>> -> memref<2000xi32, #tpu.memory_space<vmem>>
        %dma_wait3A_59 = tpu.memref_slice %arg3[%add3A_20] : memref<320000xi32, #tpu.memory_space<hbm>> -> memref<2000xi32, #tpu.memory_space<hbm>>
        tpu.wait_dma2 semaphore(%run_scoped3A : memref<!tpu.dma_semaphore, #tpu.memory_space<semaphore_mem>>) src(%dma_wait3A_59 : memref<2000xi32, #tpu.memory_space<hbm>>) dst(%dma_wait3A_58 : memref<2000xi32, #tpu.memory_space<vmem>>)
        tpu.yield
      }) : () -> ()
      %mul3A_21 = arith.constant 2000 : i32
      %mul3A_22 = arith.muli %scan3A_17, %mul3A_21 : i32
      %add3A_23 = arith.addi %mul3A_2, %mul3A_22 : i32
      "tpu.region"() ({
        %run_scoped3A = tpu.sem_alloc : memref<!tpu.dma_semaphore, #tpu.memory_space<semaphore_mem>>
        %dma_start3A_48 = arith.constant 0 : i32
        %dma_start3A_49 = tpu.memref_slice %arg8[%dma_start3A_48] : memref<2000xi32, #tpu.memory_space<vmem>> -> memref<2000xi32, #tpu.memory_space<vmem>>
        %dma_start3A_50 = tpu.memref_slice %arg4[%add3A_23] : memref<320000xi32, #tpu.memory_space<hbm>> -> memref<2000xi32, #tpu.memory_space<hbm>>
        %dma_start3A_51 = arith.constant 0 : i32
        %dma_start3A_52 = tpu.memref_slice %arg8[%dma_start3A_51] : memref<2000xi32, #tpu.memory_space<vmem>> -> memref<2000xi32, #tpu.memory_space<vmem>>
        %dma_start3A_53 = tpu.memref_slice %arg4[%add3A_23] : memref<320000xi32, #tpu.memory_space<hbm>> -> memref<2000xi32, #tpu.memory_space<hbm>>
        tpu.enqueue_dma source(%dma_start3A_53 : memref<2000xi32, #tpu.memory_space<hbm>>) target(%dma_start3A_52 : memref<2000xi32, #tpu.memory_space<vmem>>) target_semaphore(%run_scoped3A : memref<!tpu.dma_semaphore, #tpu.memory_space<semaphore_mem>>)
        %dma_wait3A_54 = arith.constant 0 : i32
        %dma_wait3A_55 = tpu.memref_slice %arg8[%dma_wait3A_54] : memref<2000xi32, #tpu.memory_space<vmem>> -> memref<2000xi32, #tpu.memory_space<vmem>>
        %dma_wait3A_56 = tpu.memref_slice %arg4[%add3A_23] : memref<320000xi32, #tpu.memory_space<hbm>> -> memref<2000xi32, #tpu.memory_space<hbm>>
        %dma_wait3A_57 = arith.constant 0 : i32
        %dma_wait3A_58 = tpu.memref_slice %arg8[%dma_wait3A_57] : memref<2000xi32, #tpu.memory_space<vmem>> -> memref<2000xi32, #tpu.memory_space<vmem>>
        %dma_wait3A_59 = tpu.memref_slice %arg4[%add3A_23] : memref<320000xi32, #tpu.memory_space<hbm>> -> memref<2000xi32, #tpu.memory_space<hbm>>
        tpu.wait_dma2 semaphore(%run_scoped3A : memref<!tpu.dma_semaphore, #tpu.memory_space<semaphore_mem>>) src(%dma_wait3A_59 : memref<2000xi32, #tpu.memory_space<hbm>>) dst(%dma_wait3A_58 : memref<2000xi32, #tpu.memory_space<vmem>>)
        tpu.yield
      }) : () -> ()
      %dma_start3A = arith.constant 0 : i32
      %dma_start3A_24 = tpu.memref_slice %arg7[%dma_start3A] : memref<2000xi32, #tpu.memory_space<vmem>> -> memref<80xi32, #tpu.memory_space<vmem>>
      %dma_start3A_25 = arith.constant 0 : i32
      %dma_start3A_26 = arith.constant 0 : i32
      %dma_start3A_27 = tpu.memref_slice %arg2[%dma_start3A_25, %dma_start3A_26] : memref<10240x128xf32, #tpu.memory_space<hbm>> -> memref<10240x128xf32, #tpu.memory_space<hbm>>
      tpu.enqueue_indirect_dma source(%dma_start3A_27 : memref<10240x128xf32, #tpu.memory_space<hbm>>) target(%arg9 : memref<80x128xf32, #tpu.memory_space<vmem>>) offsets(%dma_start3A_24 : memref<80xi32, #tpu.memory_space<vmem>>) semaphore(%arg12 : memref<!tpu.dma_semaphore, #tpu.memory_space<semaphore_mem>>)
      %dma_start3A_28 = arith.constant 80 : i32
      %dma_start3A_29 = tpu.memref_slice %arg7[%dma_start3A_28] : memref<2000xi32, #tpu.memory_space<vmem>> -> memref<80xi32, #tpu.memory_space<vmem>>
      %dma_start3A_30 = arith.constant 0 : i32
      %dma_start3A_31 = arith.constant 0 : i32
      %dma_start3A_32 = tpu.memref_slice %arg2[%dma_start3A_30, %dma_start3A_31] : memref<10240x128xf32, #tpu.memory_space<hbm>> -> memref<10240x128xf32, #tpu.memory_space<hbm>>
      tpu.enqueue_indirect_dma source(%dma_start3A_32 : memref<10240x128xf32, #tpu.memory_space<hbm>>) target(%arg10 : memref<80x128xf32, #tpu.memory_space<vmem>>) offsets(%dma_start3A_29 : memref<80xi32, #tpu.memory_space<vmem>>) semaphore(%arg13 : memref<!tpu.dma_semaphore, #tpu.memory_space<semaphore_mem>>)
      %scan3A_33 = arith.constant 0 : i32
      %scan3A_34 = arith.constant 0 : i32
      %scan3A_35 = arith.constant 13 : i32
      %scan3A_36 = arith.addi %scan3A_34, %scan3A_35 : i32
      %scan3A_37 = arith.constant 1 : i32
      scf.for %scan3A_48 = %scan3A_34 to %scan3A_36 step %scan3A_37  : i32 {
        %mul3A_49 = arith.constant 2 : i32
        %mul3A_50 = arith.muli %scan3A_48, %mul3A_49 : i32
        %dma_wait3A_51 = arith.constant 0 : i32
        %dma_wait3A_52 = tpu.memref_slice %arg7[%dma_wait3A_51] : memref<2000xi32, #tpu.memory_space<vmem>> -> memref<80xi32, #tpu.memory_space<vmem>>
        %dma_wait3A_53 = arith.constant 0 : i32
        %dma_wait3A_54 = arith.constant 0 : i32
        %dma_wait3A_55 = tpu.memref_slice %arg2[%dma_wait3A_53, %dma_wait3A_54] : memref<10240x128xf32, #tpu.memory_space<hbm>> -> memref<10240x128xf32, #tpu.memory_space<hbm>>
        tpu.wait_indirect_dma semaphore(%arg12 : memref<!tpu.dma_semaphore, #tpu.memory_space<semaphore_mem>>) src(%dma_wait3A_55 : memref<10240x128xf32, #tpu.memory_space<hbm>>) dst(%arg9 : memref<80x128xf32, #tpu.memory_space<vmem>>)
        %mul3A_56 = arith.constant 80 : i32
        %mul3A_57 = arith.muli %mul3A_50, %mul3A_56 : i32
        %dma_start3A_58 = tpu.memref_slice %arg8[%mul3A_57] : memref<2000xi32, #tpu.memory_space<vmem>> -> memref<80xi32, #tpu.memory_space<vmem>>
        %dma_start3A_59 = arith.constant 0 : i32
        %dma_start3A_60 = arith.constant 0 : i32
        %dma_start3A_61 = tpu.memref_slice %arg11[%dma_start3A_59, %dma_start3A_60] : memref<10240x128xf32, #tpu.memory_space<vmem_shared>> -> memref<10240x128xf32, #tpu.memory_space<vmem_shared>>
        tpu.enqueue_indirect_dma source(%arg9 : memref<80x128xf32, #tpu.memory_space<vmem>>) target(%dma_start3A_61 : memref<10240x128xf32, #tpu.memory_space<vmem_shared>>) offsets(%dma_start3A_58 : memref<80xi32, #tpu.memory_space<vmem>>) semaphore(%arg14 : memref<!tpu.dma_semaphore, #tpu.memory_space<semaphore_mem>>) {add = true}
        %add3A_62 = arith.constant 2 : i32
        %add3A_63 = arith.addi %mul3A_50, %add3A_62 : i32
        %lt3A = arith.constant 25 : i32
        %lt3A_64 = arith.cmpi slt, %add3A_63, %lt3A : i32
        %convert_element_type3A = arith.extui %lt3A_64 : i1 to i32
        %cond3A = arith.constant 0 : i32
        %cond3A_65 = arith.cmpi ne, %convert_element_type3A, %cond3A : i32
        scf.if %cond3A_65 {
          %dma_wait3A_73 = arith.constant 0 : i32
          %dma_wait3A_74 = tpu.memref_slice %arg8[%dma_wait3A_73] : memref<2000xi32, #tpu.memory_space<vmem>> -> memref<80xi32, #tpu.memory_space<vmem>>
          %dma_wait3A_75 = arith.constant 0 : i32
          %dma_wait3A_76 = arith.constant 0 : i32
          %dma_wait3A_77 = tpu.memref_slice %arg11[%dma_wait3A_75, %dma_wait3A_76] : memref<10240x128xf32, #tpu.memory_space<vmem_shared>> -> memref<10240x128xf32, #tpu.memory_space<vmem_shared>>
          tpu.wait_indirect_dma semaphore(%arg14 : memref<!tpu.dma_semaphore, #tpu.memory_space<semaphore_mem>>) src(%arg9 : memref<80x128xf32, #tpu.memory_space<vmem>>) dst(%dma_wait3A_77 : memref<10240x128xf32, #tpu.memory_space<vmem_shared>>)
          %add3A_78 = arith.constant 2 : i32
          %add3A_79 = arith.addi %mul3A_50, %add3A_78 : i32
          %mul3A_80 = arith.constant 80 : i32
          %mul3A_81 = arith.muli %add3A_79, %mul3A_80 : i32
          %dma_start3A_82 = tpu.memref_slice %arg7[%mul3A_81] : memref<2000xi32, #tpu.memory_space<vmem>> -> memref<80xi32, #tpu.memory_space<vmem>>
          %dma_start3A_83 = arith.constant 0 : i32
          %dma_start3A_84 = arith.constant 0 : i32
          %dma_start3A_85 = tpu.memref_slice %arg2[%dma_start3A_83, %dma_start3A_84] : memref<10240x128xf32, #tpu.memory_space<hbm>> -> memref<10240x128xf32, #tpu.memory_space<hbm>>
          tpu.enqueue_indirect_dma source(%dma_start3A_85 : memref<10240x128xf32, #tpu.memory_space<hbm>>) target(%arg9 : memref<80x128xf32, #tpu.memory_space<vmem>>) offsets(%dma_start3A_82 : memref<80xi32, #tpu.memory_space<vmem>>) semaphore(%arg12 : memref<!tpu.dma_semaphore, #tpu.memory_space<semaphore_mem>>)
        } else {
        }
        %add3A_66 = arith.constant 1 : i32
        %add3A_67 = arith.addi %mul3A_50, %add3A_66 : i32
        %lt3A_68 = arith.constant 25 : i32
        %lt3A_69 = arith.cmpi slt, %add3A_67, %lt3A_68 : i32
        %convert_element_type3A_70 = arith.extui %lt3A_69 : i1 to i32
        %cond3A_71 = arith.constant 0 : i32
        %cond3A_72 = arith.cmpi ne, %convert_element_type3A_70, %cond3A_71 : i32
        scf.if %cond3A_72 {
          %dma_wait3A_73 = arith.constant 0 : i32
          %dma_wait3A_74 = tpu.memref_slice %arg7[%dma_wait3A_73] : memref<2000xi32, #tpu.memory_space<vmem>> -> memref<80xi32, #tpu.memory_space<vmem>>
          %dma_wait3A_75 = arith.constant 0 : i32
          %dma_wait3A_76 = arith.constant 0 : i32
          %dma_wait3A_77 = tpu.memref_slice %arg2[%dma_wait3A_75, %dma_wait3A_76] : memref<10240x128xf32, #tpu.memory_space<hbm>> -> memref<10240x128xf32, #tpu.memory_space<hbm>>
          tpu.wait_indirect_dma semaphore(%arg13 : memref<!tpu.dma_semaphore, #tpu.memory_space<semaphore_mem>>) src(%dma_wait3A_77 : memref<10240x128xf32, #tpu.memory_space<hbm>>) dst(%arg10 : memref<80x128xf32, #tpu.memory_space<vmem>>)
          %add3A_78 = arith.constant 1 : i32
          %add3A_79 = arith.addi %mul3A_50, %add3A_78 : i32
          %mul3A_80 = arith.constant 80 : i32
          %mul3A_81 = arith.muli %add3A_79, %mul3A_80 : i32
          %dma_start3A_82 = tpu.memref_slice %arg8[%mul3A_81] : memref<2000xi32, #tpu.memory_space<vmem>> -> memref<80xi32, #tpu.memory_space<vmem>>
          %dma_start3A_83 = arith.constant 0 : i32
          %dma_start3A_84 = arith.constant 0 : i32
          %dma_start3A_85 = tpu.memref_slice %arg11[%dma_start3A_83, %dma_start3A_84] : memref<10240x128xf32, #tpu.memory_space<vmem_shared>> -> memref<10240x128xf32, #tpu.memory_space<vmem_shared>>
          tpu.enqueue_indirect_dma source(%arg10 : memref<80x128xf32, #tpu.memory_space<vmem>>) target(%dma_start3A_85 : memref<10240x128xf32, #tpu.memory_space<vmem_shared>>) offsets(%dma_start3A_82 : memref<80xi32, #tpu.memory_space<vmem>>) semaphore(%arg15 : memref<!tpu.dma_semaphore, #tpu.memory_space<semaphore_mem>>) {add = true}
          %add3A_86 = arith.constant 3 : i32
          %add3A_87 = arith.addi %mul3A_50, %add3A_86 : i32
          %lt3A_88 = arith.constant 25 : i32
          %lt3A_89 = arith.cmpi slt, %add3A_87, %lt3A_88 : i32
          %convert_element_type3A_90 = arith.extui %lt3A_89 : i1 to i32
          %cond3A_91 = arith.constant 0 : i32
          %cond3A_92 = arith.cmpi ne, %convert_element_type3A_90, %cond3A_91 : i32
          scf.if %cond3A_92 {
            %dma_wait3A_93 = arith.constant 0 : i32
            %dma_wait3A_94 = tpu.memref_slice %arg8[%dma_wait3A_93] : memref<2000xi32, #tpu.memory_space<vmem>> -> memref<80xi32, #tpu.memory_space<vmem>>
            %dma_wait3A_95 = arith.constant 0 : i32
            %dma_wait3A_96 = arith.constant 0 : i32
            %dma_wait3A_97 = tpu.memref_slice %arg11[%dma_wait3A_95, %dma_wait3A_96] : memref<10240x128xf32, #tpu.memory_space<vmem_shared>> -> memref<10240x128xf32, #tpu.memory_space<vmem_shared>>
            tpu.wait_indirect_dma semaphore(%arg15 : memref<!tpu.dma_semaphore, #tpu.memory_space<semaphore_mem>>) src(%arg10 : memref<80x128xf32, #tpu.memory_space<vmem>>) dst(%dma_wait3A_97 : memref<10240x128xf32, #tpu.memory_space<vmem_shared>>)
            %add3A_98 = arith.constant 3 : i32
            %add3A_99 = arith.addi %mul3A_50, %add3A_98 : i32
            %mul3A_100 = arith.constant 80 : i32
            %mul3A_101 = arith.muli %add3A_99, %mul3A_100 : i32
            %dma_start3A_102 = tpu.memref_slice %arg7[%mul3A_101] : memref<2000xi32, #tpu.memory_space<vmem>> -> memref<80xi32, #tpu.memory_space<vmem>>
            %dma_start3A_103 = arith.constant 0 : i32
            %dma_start3A_104 = arith.constant 0 : i32
            %dma_start3A_105 = tpu.memref_slice %arg2[%dma_start3A_103, %dma_start3A_104] : memref<10240x128xf32, #tpu.memory_space<hbm>> -> memref<10240x128xf32, #tpu.memory_space<hbm>>
            tpu.enqueue_indirect_dma source(%dma_start3A_105 : memref<10240x128xf32, #tpu.memory_space<hbm>>) target(%arg10 : memref<80x128xf32, #tpu.memory_space<vmem>>) offsets(%dma_start3A_102 : memref<80xi32, #tpu.memory_space<vmem>>) semaphore(%arg13 : memref<!tpu.dma_semaphore, #tpu.memory_space<semaphore_mem>>)
          } else {
          }
        } else {
        }
      }
      %scan3A_38 = arith.constant 13 : i32
      %dma_wait3A = arith.constant 0 : i32
      %dma_wait3A_39 = tpu.memref_slice %arg8[%dma_wait3A] : memref<2000xi32, #tpu.memory_space<vmem>> -> memref<80xi32, #tpu.memory_space<vmem>>
      %dma_wait3A_40 = arith.constant 0 : i32
      %dma_wait3A_41 = arith.constant 0 : i32
      %dma_wait3A_42 = tpu.memref_slice %arg11[%dma_wait3A_40, %dma_wait3A_41] : memref<10240x128xf32, #tpu.memory_space<vmem_shared>> -> memref<10240x128xf32, #tpu.memory_space<vmem_shared>>
      tpu.wait_indirect_dma semaphore(%arg14 : memref<!tpu.dma_semaphore, #tpu.memory_space<semaphore_mem>>) src(%arg9 : memref<80x128xf32, #tpu.memory_space<vmem>>) dst(%dma_wait3A_42 : memref<10240x128xf32, #tpu.memory_space<vmem_shared>>)
      %dma_wait3A_43 = arith.constant 0 : i32
      %dma_wait3A_44 = tpu.memref_slice %arg8[%dma_wait3A_43] : memref<2000xi32, #tpu.memory_space<vmem>> -> memref<80xi32, #tpu.memory_space<vmem>>
      %dma_wait3A_45 = arith.constant 0 : i32
      %dma_wait3A_46 = arith.constant 0 : i32
      %dma_wait3A_47 = tpu.memref_slice %arg11[%dma_wait3A_45, %dma_wait3A_46] : memref<10240x128xf32, #tpu.memory_space<vmem_shared>> -> memref<10240x128xf32, #tpu.memory_space<vmem_shared>>
      tpu.wait_indirect_dma semaphore(%arg15 : memref<!tpu.dma_semaphore, #tpu.memory_space<semaphore_mem>>) src(%arg10 : memref<80x128xf32, #tpu.memory_space<vmem>>) dst(%dma_wait3A_47 : memref<10240x128xf32, #tpu.memory_space<vmem_shared>>)
    }
    %scan3A_11 = arith.constant 5 : i32
    %barrier3A_12 = arith.constant 0 : index
    tpu.barrier barrier_id(%barrier3A_12)
    %mul3A_13 = arith.constant 640 : i32
    %mul3A_14 = arith.muli %arg1, %mul3A_13 : i32
    %mul3A_15 = arith.constant 640 : i32
    %mul3A_16 = arith.muli %arg1, %mul3A_15 : i32
    "tpu.region"() ({
      %run_scoped3A = tpu.sem_alloc : memref<!tpu.dma_semaphore, #tpu.memory_space<semaphore_mem>>
      %dma_start3A = arith.constant 0 : i32
      %dma_start3A_17 = tpu.memref_slice %arg6[%arg0, %mul3A_16, %dma_start3A] : memref<2x10240x128xf32, #tpu.memory_space<hbm>> -> memref<1x640x128xf32, #tpu.memory_space<hbm>>
      %dma_start3A_18 = tpu.memref_squeeze %dma_start3A_17 : memref<1x640x128xf32, #tpu.memory_space<hbm>> -> memref<640x128xf32, #tpu.memory_space<hbm>>
      %dma_start3A_19 = arith.constant 0 : i32
      %dma_start3A_20 = tpu.memref_slice %arg11[%mul3A_14, %dma_start3A_19] : memref<10240x128xf32, #tpu.memory_space<vmem_shared>> -> memref<640x128xf32, #tpu.memory_space<vmem_shared>>
      tpu.enqueue_dma source(%dma_start3A_20 : memref<640x128xf32, #tpu.memory_space<vmem_shared>>) target(%dma_start3A_18 : memref<640x128xf32, #tpu.memory_space<hbm>>) target_semaphore(%run_scoped3A : memref<!tpu.dma_semaphore, #tpu.memory_space<semaphore_mem>>)
      %dma_wait3A = arith.constant 0 : i32
      %dma_wait3A_21 = tpu.memref_slice %arg6[%arg0, %mul3A_16, %dma_wait3A] : memref<2x10240x128xf32, #tpu.memory_space<hbm>> -> memref<1x640x128xf32, #tpu.memory_space<hbm>>
      %dma_wait3A_22 = tpu.memref_squeeze %dma_wait3A_21 : memref<1x640x128xf32, #tpu.memory_space<hbm>> -> memref<640x128xf32, #tpu.memory_space<hbm>>
      %dma_wait3A_23 = arith.constant 0 : i32
      %dma_wait3A_24 = tpu.memref_slice %arg11[%mul3A_14, %dma_wait3A_23] : memref<10240x128xf32, #tpu.memory_space<vmem_shared>> -> memref<640x128xf32, #tpu.memory_space<vmem_shared>>
      tpu.wait_dma2 semaphore(%run_scoped3A : memref<!tpu.dma_semaphore, #tpu.memory_space<semaphore_mem>>) src(%dma_wait3A_24 : memref<640x128xf32, #tpu.memory_space<vmem_shared>>) dst(%dma_wait3A_22 : memref<640x128xf32, #tpu.memory_space<hbm>>)
      tpu.yield
    }) : () -> ()
    return
  }
}

#map = affine_map<(d0, d1) -> (0)>
#map1 = affine_map<(d0, d1) -> (0, 0)>
#map2 = affine_map<(d0, d1) -> (0, 0, 0)>
module attributes {stable_mosaic.version = 14 : i64} {
  func.func @_deg_body(%arg0: i32, %arg1: i32, %arg2: memref<320000xi32, #tpu.memory_space<hbm>>, %arg3: memref<10240x128xf32, #tpu.memory_space<hbm>>, %arg4: memref<128x128xf32, #tpu.memory_space<hbm>>, %arg5: memref<2x10240x128xf32, #tpu.memory_space<hbm>>, %arg6: memref<1024xi32, #tpu.memory_space<vmem>>, %arg7: memref<128x128xf32, #tpu.memory_space<vmem>>, %arg8: memref<10240x128xf32, #tpu.memory_space<vmem_shared>>, %arg9: memref<!tpu.dma_semaphore, #tpu.memory_space<semaphore_mem>>) attributes {dimension_semantics = [#tpu.dimension_semantics<core_parallel>, #tpu.dimension_semantics<subcore_parallel>], iteration_bounds = array<i64: 2, 16>, scalar_prefetch = 0 : i64, scratch_operands = 4 : i64, tpu.core_type = #tpu.core_type<sc_vector_subcore>, window_params = [{transform_indices = #map}, {transform_indices = #map1}, {transform_indices = #map1}, {transform_indices = #map2}]} {
    %mul3A = arith.constant 16 : i32
    %mul3A_0 = arith.muli %arg0, %mul3A : i32
    %add3A = arith.addi %mul3A_0, %arg1 : i32
    %mul3A_1 = arith.constant 10000 : i32
    %mul3A_2 = arith.muli %add3A, %mul3A_1 : i32
    %mul3A_3 = arith.constant 640 : i32
    %mul3A_4 = arith.muli %arg1, %mul3A_3 : i32
    %mul3A_5 = arith.constant 640 : i32
    %mul3A_6 = arith.muli %arg1, %mul3A_5 : i32
    "tpu.region"() ({
      %run_scoped3A = tpu.sem_alloc : memref<!tpu.dma_semaphore, #tpu.memory_space<semaphore_mem>>
      %dma_start3A = arith.constant 0 : i32
      %dma_start3A_31 = tpu.memref_slice %arg8[%mul3A_6, %dma_start3A] : memref<10240x128xf32, #tpu.memory_space<vmem_shared>> -> memref<640x128xf32, #tpu.memory_space<vmem_shared>>
      %dma_start3A_32 = arith.constant 0 : i32
      %dma_start3A_33 = tpu.memref_slice %arg3[%mul3A_4, %dma_start3A_32] : memref<10240x128xf32, #tpu.memory_space<hbm>> -> memref<640x128xf32, #tpu.memory_space<hbm>>
      tpu.enqueue_dma source(%dma_start3A_33 : memref<640x128xf32, #tpu.memory_space<hbm>>) target(%dma_start3A_31 : memref<640x128xf32, #tpu.memory_space<vmem_shared>>) target_semaphore(%run_scoped3A : memref<!tpu.dma_semaphore, #tpu.memory_space<semaphore_mem>>)
      %dma_wait3A = arith.constant 0 : i32
      %dma_wait3A_34 = tpu.memref_slice %arg8[%mul3A_6, %dma_wait3A] : memref<10240x128xf32, #tpu.memory_space<vmem_shared>> -> memref<640x128xf32, #tpu.memory_space<vmem_shared>>
      %dma_wait3A_35 = arith.constant 0 : i32
      %dma_wait3A_36 = tpu.memref_slice %arg3[%mul3A_4, %dma_wait3A_35] : memref<10240x128xf32, #tpu.memory_space<hbm>> -> memref<640x128xf32, #tpu.memory_space<hbm>>
      tpu.wait_dma2 semaphore(%run_scoped3A : memref<!tpu.dma_semaphore, #tpu.memory_space<semaphore_mem>>) src(%dma_wait3A_36 : memref<640x128xf32, #tpu.memory_space<hbm>>) dst(%dma_wait3A_34 : memref<640x128xf32, #tpu.memory_space<vmem_shared>>)
      tpu.yield
    }) : () -> ()
    "tpu.region"() ({
      %run_scoped3A = tpu.sem_alloc : memref<!tpu.dma_semaphore, #tpu.memory_space<semaphore_mem>>
      tpu.enqueue_dma source(%arg4 : memref<128x128xf32, #tpu.memory_space<hbm>>) target(%arg7 : memref<128x128xf32, #tpu.memory_space<vmem>>) target_semaphore(%run_scoped3A : memref<!tpu.dma_semaphore, #tpu.memory_space<semaphore_mem>>)
      tpu.wait_dma2 semaphore(%run_scoped3A : memref<!tpu.dma_semaphore, #tpu.memory_space<semaphore_mem>>) src(%arg4 : memref<128x128xf32, #tpu.memory_space<hbm>>) dst(%arg7 : memref<128x128xf32, #tpu.memory_space<vmem>>)
      tpu.yield
    }) : () -> ()
    %barrier3A = arith.constant 0 : index
    tpu.barrier barrier_id(%barrier3A)
    %scan3A = arith.constant 0 : i32
    %scan3A_7 = arith.constant 0 : i32
    %scan3A_8 = arith.constant 9 : i32
    %scan3A_9 = arith.addi %scan3A_7, %scan3A_8 : i32
    %scan3A_10 = arith.constant 1 : i32
    scf.for %scan3A_31 = %scan3A_7 to %scan3A_9 step %scan3A_10  : i32 {
      %mul3A_32 = arith.constant 1024 : i32
      %mul3A_33 = arith.muli %scan3A_31, %mul3A_32 : i32
      %add3A_34 = arith.addi %mul3A_2, %mul3A_33 : i32
      "tpu.region"() ({
        %run_scoped3A = tpu.sem_alloc : memref<!tpu.dma_semaphore, #tpu.memory_space<semaphore_mem>>
        %dma_start3A = arith.constant 0 : i32
        %dma_start3A_46 = tpu.memref_slice %arg6[%dma_start3A] : memref<1024xi32, #tpu.memory_space<vmem>> -> memref<1024xi32, #tpu.memory_space<vmem>>
        %dma_start3A_47 = tpu.memref_slice %arg2[%add3A_34] : memref<320000xi32, #tpu.memory_space<hbm>> -> memref<1024xi32, #tpu.memory_space<hbm>>
        %dma_start3A_48 = arith.constant 0 : i32
        %dma_start3A_49 = tpu.memref_slice %arg6[%dma_start3A_48] : memref<1024xi32, #tpu.memory_space<vmem>> -> memref<1024xi32, #tpu.memory_space<vmem>>
        %dma_start3A_50 = tpu.memref_slice %arg2[%add3A_34] : memref<320000xi32, #tpu.memory_space<hbm>> -> memref<1024xi32, #tpu.memory_space<hbm>>
        tpu.enqueue_dma source(%dma_start3A_50 : memref<1024xi32, #tpu.memory_space<hbm>>) target(%dma_start3A_49 : memref<1024xi32, #tpu.memory_space<vmem>>) target_semaphore(%run_scoped3A : memref<!tpu.dma_semaphore, #tpu.memory_space<semaphore_mem>>)
        %dma_wait3A = arith.constant 0 : i32
        %dma_wait3A_51 = tpu.memref_slice %arg6[%dma_wait3A] : memref<1024xi32, #tpu.memory_space<vmem>> -> memref<1024xi32, #tpu.memory_space<vmem>>
        %dma_wait3A_52 = tpu.memref_slice %arg2[%add3A_34] : memref<320000xi32, #tpu.memory_space<hbm>> -> memref<1024xi32, #tpu.memory_space<hbm>>
        %dma_wait3A_53 = arith.constant 0 : i32
        %dma_wait3A_54 = tpu.memref_slice %arg6[%dma_wait3A_53] : memref<1024xi32, #tpu.memory_space<vmem>> -> memref<1024xi32, #tpu.memory_space<vmem>>
        %dma_wait3A_55 = tpu.memref_slice %arg2[%add3A_34] : memref<320000xi32, #tpu.memory_space<hbm>> -> memref<1024xi32, #tpu.memory_space<hbm>>
        tpu.wait_dma2 semaphore(%run_scoped3A : memref<!tpu.dma_semaphore, #tpu.memory_space<semaphore_mem>>) src(%dma_wait3A_55 : memref<1024xi32, #tpu.memory_space<hbm>>) dst(%dma_wait3A_54 : memref<1024xi32, #tpu.memory_space<vmem>>)
        tpu.yield
      }) : () -> ()
      %scan3A_35 = arith.constant 0 : i32
      %scan3A_36 = arith.constant 8 : i32
      %scan3A_37 = arith.addi %scan3A_35, %scan3A_36 : i32
      %scan3A_38 = arith.constant 1 : i32
      scf.for %scan3A_46 = %scan3A_35 to %scan3A_37 step %scan3A_38  : i32 {
        %mul3A_47 = arith.constant 128 : i32
        %mul3A_48 = arith.muli %scan3A_46, %mul3A_47 : i32
        %dma_start3A = tpu.memref_slice %arg6[%mul3A_48] : memref<1024xi32, #tpu.memory_space<vmem>> -> memref<128xi32, #tpu.memory_space<vmem>>
        %dma_start3A_49 = arith.constant 0 : i32
        %dma_start3A_50 = arith.constant 0 : i32
        %dma_start3A_51 = tpu.memref_slice %arg8[%dma_start3A_49, %dma_start3A_50] : memref<10240x128xf32, #tpu.memory_space<vmem_shared>> -> memref<10240x128xf32, #tpu.memory_space<vmem_shared>>
        tpu.enqueue_indirect_dma source(%arg7 : memref<128x128xf32, #tpu.memory_space<vmem>>) target(%dma_start3A_51 : memref<10240x128xf32, #tpu.memory_space<vmem_shared>>) offsets(%dma_start3A : memref<128xi32, #tpu.memory_space<vmem>>) semaphore(%arg9 : memref<!tpu.dma_semaphore, #tpu.memory_space<semaphore_mem>>) {add = true}
      }
      %scan3A_39 = arith.constant 8 : i32
      %scan3A_40 = arith.constant 0 : i32
      %scan3A_41 = arith.constant 0 : i32
      %scan3A_42 = arith.constant 8 : i32
      %scan3A_43 = arith.addi %scan3A_41, %scan3A_42 : i32
      %scan3A_44 = arith.constant 1 : i32
      scf.for %scan3A_46 = %scan3A_41 to %scan3A_43 step %scan3A_44  : i32 {
        %dma_wait3A = arith.constant 0 : i32
        %dma_wait3A_47 = tpu.memref_slice %arg6[%dma_wait3A] : memref<1024xi32, #tpu.memory_space<vmem>> -> memref<128xi32, #tpu.memory_space<vmem>>
        %dma_wait3A_48 = arith.constant 0 : i32
        %dma_wait3A_49 = arith.constant 0 : i32
        %dma_wait3A_50 = tpu.memref_slice %arg8[%dma_wait3A_48, %dma_wait3A_49] : memref<10240x128xf32, #tpu.memory_space<vmem_shared>> -> memref<10240x128xf32, #tpu.memory_space<vmem_shared>>
        tpu.wait_indirect_dma semaphore(%arg9 : memref<!tpu.dma_semaphore, #tpu.memory_space<semaphore_mem>>) src(%arg7 : memref<128x128xf32, #tpu.memory_space<vmem>>) dst(%dma_wait3A_50 : memref<10240x128xf32, #tpu.memory_space<vmem_shared>>)
      }
      %scan3A_45 = arith.constant 8 : i32
    }
    %scan3A_11 = arith.constant 9 : i32
    %add3A_12 = arith.constant 9216 : i32
    %add3A_13 = arith.addi %mul3A_2, %add3A_12 : i32
    "tpu.region"() ({
      %run_scoped3A = tpu.sem_alloc : memref<!tpu.dma_semaphore, #tpu.memory_space<semaphore_mem>>
      %dma_start3A = arith.constant 0 : i32
      %dma_start3A_31 = tpu.memref_slice %arg6[%dma_start3A] : memref<1024xi32, #tpu.memory_space<vmem>> -> memref<784xi32, #tpu.memory_space<vmem>>
      %dma_start3A_32 = tpu.memref_slice %arg2[%add3A_13] : memref<320000xi32, #tpu.memory_space<hbm>> -> memref<784xi32, #tpu.memory_space<hbm>>
      %dma_start3A_33 = arith.constant 0 : i32
      %dma_start3A_34 = tpu.memref_slice %arg6[%dma_start3A_33] : memref<1024xi32, #tpu.memory_space<vmem>> -> memref<784xi32, #tpu.memory_space<vmem>>
      %dma_start3A_35 = tpu.memref_slice %arg2[%add3A_13] : memref<320000xi32, #tpu.memory_space<hbm>> -> memref<784xi32, #tpu.memory_space<hbm>>
      tpu.enqueue_dma source(%dma_start3A_35 : memref<784xi32, #tpu.memory_space<hbm>>) target(%dma_start3A_34 : memref<784xi32, #tpu.memory_space<vmem>>) target_semaphore(%run_scoped3A : memref<!tpu.dma_semaphore, #tpu.memory_space<semaphore_mem>>)
      %dma_wait3A = arith.constant 0 : i32
      %dma_wait3A_36 = tpu.memref_slice %arg6[%dma_wait3A] : memref<1024xi32, #tpu.memory_space<vmem>> -> memref<784xi32, #tpu.memory_space<vmem>>
      %dma_wait3A_37 = tpu.memref_slice %arg2[%add3A_13] : memref<320000xi32, #tpu.memory_space<hbm>> -> memref<784xi32, #tpu.memory_space<hbm>>
      %dma_wait3A_38 = arith.constant 0 : i32
      %dma_wait3A_39 = tpu.memref_slice %arg6[%dma_wait3A_38] : memref<1024xi32, #tpu.memory_space<vmem>> -> memref<784xi32, #tpu.memory_space<vmem>>
      %dma_wait3A_40 = tpu.memref_slice %arg2[%add3A_13] : memref<320000xi32, #tpu.memory_space<hbm>> -> memref<784xi32, #tpu.memory_space<hbm>>
      tpu.wait_dma2 semaphore(%run_scoped3A : memref<!tpu.dma_semaphore, #tpu.memory_space<semaphore_mem>>) src(%dma_wait3A_40 : memref<784xi32, #tpu.memory_space<hbm>>) dst(%dma_wait3A_39 : memref<784xi32, #tpu.memory_space<vmem>>)
      tpu.yield
    }) : () -> ()
    %scan3A_14 = arith.constant 0 : i32
    %scan3A_15 = arith.constant 0 : i32
    %scan3A_16 = arith.constant 6 : i32
    %scan3A_17 = arith.addi %scan3A_15, %scan3A_16 : i32
    %scan3A_18 = arith.constant 1 : i32
    scf.for %scan3A_31 = %scan3A_15 to %scan3A_17 step %scan3A_18  : i32 {
      %mul3A_32 = arith.constant 128 : i32
      %mul3A_33 = arith.muli %scan3A_31, %mul3A_32 : i32
      %dma_start3A = tpu.memref_slice %arg6[%mul3A_33] : memref<1024xi32, #tpu.memory_space<vmem>> -> memref<128xi32, #tpu.memory_space<vmem>>
      %dma_start3A_34 = arith.constant 0 : i32
      %dma_start3A_35 = arith.constant 0 : i32
      %dma_start3A_36 = tpu.memref_slice %arg8[%dma_start3A_34, %dma_start3A_35] : memref<10240x128xf32, #tpu.memory_space<vmem_shared>> -> memref<10240x128xf32, #tpu.memory_space<vmem_shared>>
      tpu.enqueue_indirect_dma source(%arg7 : memref<128x128xf32, #tpu.memory_space<vmem>>) target(%dma_start3A_36 : memref<10240x128xf32, #tpu.memory_space<vmem_shared>>) offsets(%dma_start3A : memref<128xi32, #tpu.memory_space<vmem>>) semaphore(%arg9 : memref<!tpu.dma_semaphore, #tpu.memory_space<semaphore_mem>>) {add = true}
    }
    %scan3A_19 = arith.constant 6 : i32
    %scan3A_20 = arith.constant 0 : i32
    %scan3A_21 = arith.constant 0 : i32
    %scan3A_22 = arith.constant 6 : i32
    %scan3A_23 = arith.addi %scan3A_21, %scan3A_22 : i32
    %scan3A_24 = arith.constant 1 : i32
    scf.for %scan3A_31 = %scan3A_21 to %scan3A_23 step %scan3A_24  : i32 {
      %dma_wait3A = arith.constant 0 : i32
      %dma_wait3A_32 = tpu.memref_slice %arg6[%dma_wait3A] : memref<1024xi32, #tpu.memory_space<vmem>> -> memref<128xi32, #tpu.memory_space<vmem>>
      %dma_wait3A_33 = arith.constant 0 : i32
      %dma_wait3A_34 = arith.constant 0 : i32
      %dma_wait3A_35 = tpu.memref_slice %arg8[%dma_wait3A_33, %dma_wait3A_34] : memref<10240x128xf32, #tpu.memory_space<vmem_shared>> -> memref<10240x128xf32, #tpu.memory_space<vmem_shared>>
      tpu.wait_indirect_dma semaphore(%arg9 : memref<!tpu.dma_semaphore, #tpu.memory_space<semaphore_mem>>) src(%arg7 : memref<128x128xf32, #tpu.memory_space<vmem>>) dst(%dma_wait3A_35 : memref<10240x128xf32, #tpu.memory_space<vmem_shared>>)
    }
    %scan3A_25 = arith.constant 6 : i32
    "tpu.region"() ({
      %run_scoped3A = tpu.sem_alloc : memref<!tpu.dma_semaphore, #tpu.memory_space<semaphore_mem>>
      %dma_start3A = arith.constant 0 : i32
      %dma_start3A_31 = arith.constant 0 : i32
      %dma_start3A_32 = tpu.memref_slice %arg7[%dma_start3A, %dma_start3A_31] : memref<128x128xf32, #tpu.memory_space<vmem>> -> memref<16x128xf32, #tpu.memory_space<vmem>>
      %dma_start3A_33 = arith.constant 768 : i32
      %dma_start3A_34 = tpu.memref_slice %arg6[%dma_start3A_33] : memref<1024xi32, #tpu.memory_space<vmem>> -> memref<16xi32, #tpu.memory_space<vmem>>
      %dma_start3A_35 = arith.constant 0 : i32
      %dma_start3A_36 = arith.constant 0 : i32
      %dma_start3A_37 = tpu.memref_slice %arg8[%dma_start3A_35, %dma_start3A_36] : memref<10240x128xf32, #tpu.memory_space<vmem_shared>> -> memref<10240x128xf32, #tpu.memory_space<vmem_shared>>
      tpu.enqueue_indirect_dma source(%dma_start3A_32 : memref<16x128xf32, #tpu.memory_space<vmem>>) target(%dma_start3A_37 : memref<10240x128xf32, #tpu.memory_space<vmem_shared>>) offsets(%dma_start3A_34 : memref<16xi32, #tpu.memory_space<vmem>>) semaphore(%run_scoped3A : memref<!tpu.dma_semaphore, #tpu.memory_space<semaphore_mem>>) {add = true}
      %dma_wait3A = arith.constant 0 : i32
      %dma_wait3A_38 = arith.constant 0 : i32
      %dma_wait3A_39 = tpu.memref_slice %arg7[%dma_wait3A, %dma_wait3A_38] : memref<128x128xf32, #tpu.memory_space<vmem>> -> memref<16x128xf32, #tpu.memory_space<vmem>>
      %dma_wait3A_40 = arith.constant 768 : i32
      %dma_wait3A_41 = tpu.memref_slice %arg6[%dma_wait3A_40] : memref<1024xi32, #tpu.memory_space<vmem>> -> memref<16xi32, #tpu.memory_space<vmem>>
      %dma_wait3A_42 = arith.constant 0 : i32
      %dma_wait3A_43 = arith.constant 0 : i32
      %dma_wait3A_44 = tpu.memref_slice %arg8[%dma_wait3A_42, %dma_wait3A_43] : memref<10240x128xf32, #tpu.memory_space<vmem_shared>> -> memref<10240x128xf32, #tpu.memory_space<vmem_shared>>
      tpu.wait_indirect_dma semaphore(%run_scoped3A : memref<!tpu.dma_semaphore, #tpu.memory_space<semaphore_mem>>) src(%dma_wait3A_39 : memref<16x128xf32, #tpu.memory_space<vmem>>) dst(%dma_wait3A_44 : memref<10240x128xf32, #tpu.memory_space<vmem_shared>>)
      tpu.yield
    }) : () -> ()
    %barrier3A_26 = arith.constant 0 : index
    tpu.barrier barrier_id(%barrier3A_26)
    %mul3A_27 = arith.constant 640 : i32
    %mul3A_28 = arith.muli %arg1, %mul3A_27 : i32
    %mul3A_29 = arith.constant 640 : i32
    %mul3A_30 = arith.muli %arg1, %mul3A_29 : i32
    "tpu.region"() ({
      %run_scoped3A = tpu.sem_alloc : memref<!tpu.dma_semaphore, #tpu.memory_space<semaphore_mem>>
      %dma_start3A = arith.constant 0 : i32
      %dma_start3A_31 = tpu.memref_slice %arg5[%arg0, %mul3A_30, %dma_start3A] : memref<2x10240x128xf32, #tpu.memory_space<hbm>> -> memref<1x640x128xf32, #tpu.memory_space<hbm>>
      %dma_start3A_32 = tpu.memref_squeeze %dma_start3A_31 : memref<1x640x128xf32, #tpu.memory_space<hbm>> -> memref<640x128xf32, #tpu.memory_space<hbm>>
      %dma_start3A_33 = arith.constant 0 : i32
      %dma_start3A_34 = tpu.memref_slice %arg8[%mul3A_28, %dma_start3A_33] : memref<10240x128xf32, #tpu.memory_space<vmem_shared>> -> memref<640x128xf32, #tpu.memory_space<vmem_shared>>
      tpu.enqueue_dma source(%dma_start3A_34 : memref<640x128xf32, #tpu.memory_space<vmem_shared>>) target(%dma_start3A_32 : memref<640x128xf32, #tpu.memory_space<hbm>>) target_semaphore(%run_scoped3A : memref<!tpu.dma_semaphore, #tpu.memory_space<semaphore_mem>>)
      %dma_wait3A = arith.constant 0 : i32
      %dma_wait3A_35 = tpu.memref_slice %arg5[%arg0, %mul3A_30, %dma_wait3A] : memref<2x10240x128xf32, #tpu.memory_space<hbm>> -> memref<1x640x128xf32, #tpu.memory_space<hbm>>
      %dma_wait3A_36 = tpu.memref_squeeze %dma_wait3A_35 : memref<1x640x128xf32, #tpu.memory_space<hbm>> -> memref<640x128xf32, #tpu.memory_space<hbm>>
      %dma_wait3A_37 = arith.constant 0 : i32
      %dma_wait3A_38 = tpu.memref_slice %arg8[%mul3A_28, %dma_wait3A_37] : memref<10240x128xf32, #tpu.memory_space<vmem_shared>> -> memref<640x128xf32, #tpu.memory_space<vmem_shared>>
      tpu.wait_dma2 semaphore(%run_scoped3A : memref<!tpu.dma_semaphore, #tpu.memory_space<semaphore_mem>>) src(%dma_wait3A_38 : memref<640x128xf32, #tpu.memory_space<vmem_shared>>) dst(%dma_wait3A_36 : memref<640x128xf32, #tpu.memory_space<hbm>>)
      tpu.yield
    }) : () -> ()
    return
  }
}

module attributes {stable_mosaic.version = 14 : i64} {
  func.func @_pre_body(%arg0: i32, %arg1: memref<2x2048x128xf32, #tpu.memory_space<vmem>>, %arg2: memref<2048x128xf32, #tpu.memory_space<vmem>>, %arg3: memref<128x128xf32, #tpu.memory_space<vmem>>, %arg4: memref<2048x128xf32, #tpu.memory_space<vmem>>, %arg5: memref<2048x16xf32, #tpu.memory_space<vmem>>) attributes {dimension_semantics = [#tpu.dimension_semantics<arbitrary>], iteration_bounds = array<i64: 5>, scalar_prefetch = 0 : i64, scratch_operands = 0 : i64, tpu.core_type = #tpu.core_type<tc>, window_params = [{transform_indices = @transform_0, window_bounds = array<i64: 2, 2048, 128>}, {transform_indices = @transform_1, window_bounds = array<i64: 2048, 128>}, {pipeline_mode = #tpu.pipeline_mode<synchronous>, transform_indices = @transform_2, window_bounds = array<i64: 128, 128>}, {transform_indices = @transform_3, window_bounds = array<i64: 2048, 128>}, {transform_indices = @transform_4, window_bounds = array<i64: 2048, 16>}]} {
    %get3A = arith.constant 0 : index
    %get3A_0 = arith.constant 0 : index
    %get3A_1 = arith.constant 0 : index
    %get3A_2 = vector.load %arg1[%get3A, %get3A_0, %get3A_1] : memref<2x2048x128xf32, #tpu.memory_space<vmem>>, vector<1x2048x1xf32>
    %get3A_3 = vector.shape_cast %get3A_2 : vector<1x2048x1xf32> to vector<2048x1xf32>
    %get3A_4 = arith.constant 1 : index
    %get3A_5 = arith.constant 0 : index
    %get3A_6 = arith.constant 0 : index
    %get3A_7 = vector.load %arg1[%get3A_4, %get3A_5, %get3A_6] : memref<2x2048x128xf32, #tpu.memory_space<vmem>>, vector<1x2048x1xf32>
    %get3A_8 = vector.shape_cast %get3A_7 : vector<1x2048x1xf32> to vector<2048x1xf32>
    %add3A = arith.addf %get3A_3, %get3A_8 : vector<2048x1xf32>
    %add3A_9 = arith.constant 1.000000e+00 : f32
    %add3A_10 = vector.broadcast %add3A_9 : f32 to vector<2048x1xf32>
    %add3A_11 = arith.addf %add3A, %add3A_10 : vector<2048x1xf32>
    %rsqrt3A = math.rsqrt %add3A_11 : vector<2048x1xf32>
    %broadcast_in_dim3A = vector.shape_cast %rsqrt3A : vector<2048x1xf32> to vector<2048x1xf32>
    %broadcast_in_dim3A_12 = vector.broadcast %broadcast_in_dim3A : vector<2048x1xf32> to vector<2048x16xf32>
    %swap3A = arith.constant 0 : index
    %swap3A_13 = arith.constant 0 : index
    %swap3A_14 = vector.load %arg5[%swap3A, %swap3A_13] : memref<2048x16xf32, #tpu.memory_space<vmem>>, vector<2048x16xf32>
    tpu.vector_store %arg5[%swap3A, %swap3A_13], %broadcast_in_dim3A_12 {strides = array<i32>} : memref<2048x16xf32, #tpu.memory_space<vmem>>, vector<2048x16xf32>,
    %get3A_15 = arith.constant 0 : index
    %get3A_16 = arith.constant 0 : index
    %get3A_17 = vector.load %arg2[%get3A_15, %get3A_16] : memref<2048x128xf32, #tpu.memory_space<vmem>>, vector<2048x128xf32>
    %get3A_18 = arith.constant 0 : index
    %get3A_19 = arith.constant 0 : index
    %get3A_20 = vector.load %arg3[%get3A_18, %get3A_19] : memref<128x128xf32, #tpu.memory_space<vmem>>, vector<128x128xf32>
    %dot_general3A = arith.constant dense<0.000000e+00> : vector<2048x128xf32>
    %dot_general3A_21 = tpu.matmul %get3A_17, %get3A_20, %dot_general3A {dimension_numbers = #tpu.dot_dimension_numbers<[1], [0], [0], [1], [0, 0, 1, 1], [], []>, transpose_lhs_hint = false} : vector<2048x128xf32>, vector<128x128xf32>, vector<2048x128xf32> -> vector<2048x128xf32>
    %mul3A = vector.broadcast %rsqrt3A : vector<2048x1xf32> to vector<2048x128xf32>
    %mul3A_22 = arith.mulf %dot_general3A_21, %mul3A : vector<2048x128xf32>
    %swap3A_23 = arith.constant 0 : index
    %swap3A_24 = arith.constant 0 : index
    %swap3A_25 = vector.load %arg4[%swap3A_23, %swap3A_24] : memref<2048x128xf32, #tpu.memory_space<vmem>>, vector<2048x128xf32>
    tpu.vector_store %arg4[%swap3A_23, %swap3A_24], %mul3A_22 {strides = array<i32>} : memref<2048x128xf32, #tpu.memory_space<vmem>>, vector<2048x128xf32>,
    return
  }
  func.func @transform_0(%arg0: i32) -> (i32, i32, i32) {
    %c0_i32 = arith.constant 0 : i32
    %c0_i32_0 = arith.constant 0 : i32
    %c0_i32_1 = arith.constant 0 : i32
    return %c0_i32, %arg0, %c0_i32_0 : i32, i32, i32
  }
  func.func @transform_1(%arg0: i32) -> (i32, i32) {
    %c0_i32 = arith.constant 0 : i32
    %c0_i32_0 = arith.constant 0 : i32
    return %arg0, %c0_i32 : i32, i32
  }
  func.func @transform_2(%arg0: i32) -> (i32, i32) {
    %c0_i32 = arith.constant 0 : i32
    %c0_i32_0 = arith.constant 0 : i32
    %c0_i32_1 = arith.constant 0 : i32
    return %c0_i32, %c0_i32_0 : i32, i32
  }
  func.func @transform_3(%arg0: i32) -> (i32, i32) {
    %c0_i32 = arith.constant 0 : i32
    %c0_i32_0 = arith.constant 0 : i32
    return %arg0, %c0_i32 : i32, i32
  }
  func.func @transform_4(%arg0: i32) -> (i32, i32) {
    %c0_i32 = arith.constant 0 : i32
    %c0_i32_0 = arith.constant 0 : i32
    return %arg0, %c0_i32 : i32, i32
  }
}

module attributes {stable_mosaic.version = 14 : i64} {
  func.func @_mid_body(%arg0: i32, %arg1: memref<2x2048x128xf32, #tpu.memory_space<vmem>>, %arg2: memref<2048x128xf32, #tpu.memory_space<vmem>>, %arg3: memref<2048x16xf32, #tpu.memory_space<vmem>>, %arg4: memref<128x128xf32, #tpu.memory_space<vmem>>, %arg5: memref<1x128xf32, #tpu.memory_space<vmem>>, %arg6: memref<2048x128xf32, #tpu.memory_space<vmem>>) attributes {dimension_semantics = [#tpu.dimension_semantics<arbitrary>], iteration_bounds = array<i64: 5>, scalar_prefetch = 0 : i64, scratch_operands = 0 : i64, tpu.core_type = #tpu.core_type<tc>, window_params = [{transform_indices = @transform_0, window_bounds = array<i64: 2, 2048, 128>}, {transform_indices = @transform_1, window_bounds = array<i64: 2048, 128>}, {transform_indices = @transform_2, window_bounds = array<i64: 2048, 16>}, {pipeline_mode = #tpu.pipeline_mode<synchronous>, transform_indices = @transform_3, window_bounds = array<i64: 128, 128>}, {pipeline_mode = #tpu.pipeline_mode<synchronous>, transform_indices = @transform_4, window_bounds = array<i64: 1, 128>}, {transform_indices = @transform_5, window_bounds = array<i64: 2048, 128>}]} {
    %get3A = arith.constant 0 : index
    %get3A_0 = arith.constant 0 : index
    %get3A_1 = vector.load %arg3[%get3A, %get3A_0] : memref<2048x16xf32, #tpu.memory_space<vmem>>, vector<2048x16xf32>
    %slice3A = vector.extract_strided_slice %get3A_1 {offsets = [0, 0], sizes = [2048, 1], strides = [1, 1]} : vector<2048x16xf32> to vector<2048x1xf32>
    %get3A_2 = arith.constant 0 : index
    %get3A_3 = arith.constant 0 : index
    %get3A_4 = arith.constant 0 : index
    %get3A_5 = vector.load %arg1[%get3A_2, %get3A_3, %get3A_4] : memref<2x2048x128xf32, #tpu.memory_space<vmem>>, vector<1x2048x128xf32>
    %get3A_6 = vector.shape_cast %get3A_5 : vector<1x2048x128xf32> to vector<2048x128xf32>
    %get3A_7 = arith.constant 1 : index
    %get3A_8 = arith.constant 0 : index
    %get3A_9 = arith.constant 0 : index
    %get3A_10 = vector.load %arg1[%get3A_7, %get3A_8, %get3A_9] : memref<2x2048x128xf32, #tpu.memory_space<vmem>>, vector<1x2048x128xf32>
    %get3A_11 = vector.shape_cast %get3A_10 : vector<1x2048x128xf32> to vector<2048x128xf32>
    %add3A = arith.addf %get3A_6, %get3A_11 : vector<2048x128xf32>
    %get3A_12 = arith.constant 0 : index
    %get3A_13 = arith.constant 0 : index
    %get3A_14 = vector.load %arg2[%get3A_12, %get3A_13] : memref<2048x128xf32, #tpu.memory_space<vmem>>, vector<2048x128xf32>
    %add3A_15 = arith.addf %add3A, %get3A_14 : vector<2048x128xf32>
    %mul3A = vector.broadcast %slice3A : vector<2048x1xf32> to vector<2048x128xf32>
    %mul3A_16 = arith.mulf %add3A_15, %mul3A : vector<2048x128xf32>
    %get3A_17 = arith.constant 0 : index
    %get3A_18 = arith.constant 0 : index
    %get3A_19 = vector.load %arg5[%get3A_17, %get3A_18] : memref<1x128xf32, #tpu.memory_space<vmem>>, vector<1x128xf32>
    %add3A_20 = vector.broadcast %get3A_19 : vector<1x128xf32> to vector<2048x128xf32>
    %add3A_21 = arith.addf %mul3A_16, %add3A_20 : vector<2048x128xf32>
    %max3A = arith.constant 0.000000e+00 : f32
    %max3A_22 = vector.broadcast %max3A : f32 to vector<2048x128xf32>
    %max3A_23 = arith.maximumf %add3A_21, %max3A_22 : vector<2048x128xf32>
    %get3A_24 = arith.constant 0 : index
    %get3A_25 = arith.constant 0 : index
    %get3A_26 = vector.load %arg4[%get3A_24, %get3A_25] : memref<128x128xf32, #tpu.memory_space<vmem>>, vector<128x128xf32>
    %dot_general3A = arith.constant dense<0.000000e+00> : vector<2048x128xf32>
    %dot_general3A_27 = tpu.matmul %max3A_23, %get3A_26, %dot_general3A {dimension_numbers = #tpu.dot_dimension_numbers<[1], [0], [0], [1], [0, 0, 1, 1], [], []>, transpose_lhs_hint = false} : vector<2048x128xf32>, vector<128x128xf32>, vector<2048x128xf32> -> vector<2048x128xf32>
    %mul3A_28 = vector.broadcast %slice3A : vector<2048x1xf32> to vector<2048x128xf32>
    %mul3A_29 = arith.mulf %dot_general3A_27, %mul3A_28 : vector<2048x128xf32>
    %swap3A = arith.constant 0 : index
    %swap3A_30 = arith.constant 0 : index
    %swap3A_31 = vector.load %arg6[%swap3A, %swap3A_30] : memref<2048x128xf32, #tpu.memory_space<vmem>>, vector<2048x128xf32>
    tpu.vector_store %arg6[%swap3A, %swap3A_30], %mul3A_29 {strides = array<i32>} : memref<2048x128xf32, #tpu.memory_space<vmem>>, vector<2048x128xf32>,
    return
  }
  func.func @transform_0(%arg0: i32) -> (i32, i32, i32) {
    %c0_i32 = arith.constant 0 : i32
    %c0_i32_0 = arith.constant 0 : i32
    %c0_i32_1 = arith.constant 0 : i32
    return %c0_i32, %arg0, %c0_i32_0 : i32, i32, i32
  }
  func.func @transform_1(%arg0: i32) -> (i32, i32) {
    %c0_i32 = arith.constant 0 : i32
    %c0_i32_0 = arith.constant 0 : i32
    return %arg0, %c0_i32 : i32, i32
  }
  func.func @transform_2(%arg0: i32) -> (i32, i32) {
    %c0_i32 = arith.constant 0 : i32
    %c0_i32_0 = arith.constant 0 : i32
    return %arg0, %c0_i32 : i32, i32
  }
  func.func @transform_3(%arg0: i32) -> (i32, i32) {
    %c0_i32 = arith.constant 0 : i32
    %c0_i32_0 = arith.constant 0 : i32
    %c0_i32_1 = arith.constant 0 : i32
    return %c0_i32, %c0_i32_0 : i32, i32
  }
  func.func @transform_4(%arg0: i32) -> (i32, i32) {
    %c0_i32 = arith.constant 0 : i32
    %c0_i32_0 = arith.constant 0 : i32
    %c0_i32_1 = arith.constant 0 : i32
    return %c0_i32, %c0_i32_0 : i32, i32
  }
  func.func @transform_5(%arg0: i32) -> (i32, i32) {
    %c0_i32 = arith.constant 0 : i32
    %c0_i32_0 = arith.constant 0 : i32
    return %arg0, %c0_i32 : i32, i32
  }
}

module attributes {stable_mosaic.version = 14 : i64} {
  func.func @_post_body(%arg0: i32, %arg1: memref<2x2048x128xf32, #tpu.memory_space<vmem>>, %arg2: memref<2048x128xf32, #tpu.memory_space<vmem>>, %arg3: memref<2048x16xf32, #tpu.memory_space<vmem>>, %arg4: memref<1x128xf32, #tpu.memory_space<vmem>>, %arg5: memref<2048x16xf32, #tpu.memory_space<vmem>>, %arg6: memref<128x128xf32, #tpu.memory_space<vmem>>, %arg7: memref<1x128xf32, #tpu.memory_space<vmem>>, %arg8: memref<64x128xf32, #tpu.memory_space<vmem>>, %arg9: memref<64x128xf32, #tpu.memory_space<vmem>>, %arg10: memref<64x128xf32, #tpu.memory_space<vmem>>) attributes {dimension_semantics = [#tpu.dimension_semantics<arbitrary>], iteration_bounds = array<i64: 5>, scalar_prefetch = 0 : i64, scratch_operands = 2 : i64, tpu.core_type = #tpu.core_type<tc>, window_params = [{transform_indices = @transform_0, window_bounds = array<i64: 2, 2048, 128>}, {transform_indices = @transform_1, window_bounds = array<i64: 2048, 128>}, {transform_indices = @transform_2, window_bounds = array<i64: 2048, 16>}, {pipeline_mode = #tpu.pipeline_mode<synchronous>, transform_indices = @transform_3, window_bounds = array<i64: 1, 128>}, {transform_indices = @transform_4, window_bounds = array<i64: 2048, 16>}, {pipeline_mode = #tpu.pipeline_mode<synchronous>, transform_indices = @transform_5, window_bounds = array<i64: 128, 128>}, {pipeline_mode = #tpu.pipeline_mode<synchronous>, transform_indices = @transform_6, window_bounds = array<i64: 1, 128>}, {pipeline_mode = #tpu.pipeline_mode<synchronous>, transform_indices = @transform_7, window_bounds = array<i64: 64, 128>}]} {
    %eq3A = arith.constant 0 : i32
    %eq3A_0 = arith.cmpi eq, %arg0, %eq3A : i32
    %convert_element_type3A = arith.extui %eq3A_0 : i1 to i32
    %cond3A = arith.constant 0 : i32
    %cond3A_1 = arith.cmpi ne, %convert_element_type3A, %cond3A : i32
    scf.if %cond3A_1 {
      %broadcast_in_dim3A_57 = arith.constant 0.000000e+00 : f32
      %broadcast_in_dim3A_58 = vector.broadcast %broadcast_in_dim3A_57 : f32 to vector<64x128xf32>
      %swap3A_59 = arith.constant 0 : index
      %swap3A_60 = arith.constant 0 : index
      %swap3A_61 = vector.load %arg9[%swap3A_59, %swap3A_60] : memref<64x128xf32, #tpu.memory_space<vmem>>, vector<64x128xf32>
      tpu.vector_store %arg9[%swap3A_59, %swap3A_60], %broadcast_in_dim3A_58 {strides = array<i32>} : memref<64x128xf32, #tpu.memory_space<vmem>>, vector<64x128xf32>,
      %broadcast_in_dim3A_62 = arith.constant 0.000000e+00 : f32
      %broadcast_in_dim3A_63 = vector.broadcast %broadcast_in_dim3A_62 : f32 to vector<64x128xf32>
      %swap3A_64 = arith.constant 0 : index
      %swap3A_65 = arith.constant 0 : index
      %swap3A_66 = vector.load %arg10[%swap3A_64, %swap3A_65] : memref<64x128xf32, #tpu.memory_space<vmem>>, vector<64x128xf32>
      tpu.vector_store %arg10[%swap3A_64, %swap3A_65], %broadcast_in_dim3A_63 {strides = array<i32>} : memref<64x128xf32, #tpu.memory_space<vmem>>, vector<64x128xf32>,
    } else {
    }
    %get3A = arith.constant 0 : index
    %get3A_2 = arith.constant 0 : index
    %get3A_3 = vector.load %arg3[%get3A, %get3A_2] : memref<2048x16xf32, #tpu.memory_space<vmem>>, vector<2048x16xf32>
    %slice3A = vector.extract_strided_slice %get3A_3 {offsets = [0, 0], sizes = [2048, 1], strides = [1, 1]} : vector<2048x16xf32> to vector<2048x1xf32>
    %get3A_4 = arith.constant 0 : index
    %get3A_5 = arith.constant 0 : index
    %get3A_6 = arith.constant 0 : index
    %get3A_7 = vector.load %arg1[%get3A_4, %get3A_5, %get3A_6] : memref<2x2048x128xf32, #tpu.memory_space<vmem>>, vector<1x2048x128xf32>
    %get3A_8 = vector.shape_cast %get3A_7 : vector<1x2048x128xf32> to vector<2048x128xf32>
    %get3A_9 = arith.constant 1 : index
    %get3A_10 = arith.constant 0 : index
    %get3A_11 = arith.constant 0 : index
    %get3A_12 = vector.load %arg1[%get3A_9, %get3A_10, %get3A_11] : memref<2x2048x128xf32, #tpu.memory_space<vmem>>, vector<1x2048x128xf32>
    %get3A_13 = vector.shape_cast %get3A_12 : vector<1x2048x128xf32> to vector<2048x128xf32>
    %add3A = arith.addf %get3A_8, %get3A_13 : vector<2048x128xf32>
    %get3A_14 = arith.constant 0 : index
    %get3A_15 = arith.constant 0 : index
    %get3A_16 = vector.load %arg2[%get3A_14, %get3A_15] : memref<2048x128xf32, #tpu.memory_space<vmem>>, vector<2048x128xf32>
    %add3A_17 = arith.addf %add3A, %get3A_16 : vector<2048x128xf32>
    %mul3A = vector.broadcast %slice3A : vector<2048x1xf32> to vector<2048x128xf32>
    %mul3A_18 = arith.mulf %add3A_17, %mul3A : vector<2048x128xf32>
    %get3A_19 = arith.constant 0 : index
    %get3A_20 = arith.constant 0 : index
    %get3A_21 = vector.load %arg4[%get3A_19, %get3A_20] : memref<1x128xf32, #tpu.memory_space<vmem>>, vector<1x128xf32>
    %add3A_22 = vector.broadcast %get3A_21 : vector<1x128xf32> to vector<2048x128xf32>
    %add3A_23 = arith.addf %mul3A_18, %add3A_22 : vector<2048x128xf32>
    %max3A = arith.constant 0.000000e+00 : f32
    %max3A_24 = vector.broadcast %max3A : f32 to vector<2048x128xf32>
    %max3A_25 = arith.maximumf %add3A_23, %max3A_24 : vector<2048x128xf32>
    %iota3A = tpu.iota {dimensions = array<i32: 1>} : vector<2048x64xi32>
    %convert_element_type3A_26 = arith.sitofp %iota3A : vector<2048x64xi32> to vector<2048x64xf32>
    %get3A_27 = arith.constant 0 : index
    %get3A_28 = arith.constant 0 : index
    %get3A_29 = vector.load %arg5[%get3A_27, %get3A_28] : memref<2048x16xf32, #tpu.memory_space<vmem>>, vector<2048x16xf32>
    %slice3A_30 = vector.extract_strided_slice %get3A_29 {offsets = [0, 0], sizes = [2048, 1], strides = [1, 1]} : vector<2048x16xf32> to vector<2048x1xf32>
    %eq3A_31 = vector.broadcast %slice3A_30 : vector<2048x1xf32> to vector<2048x64xf32>
    %eq3A_32 = arith.cmpf oeq, %eq3A_31, %convert_element_type3A_26 : vector<2048x64xf32>
    %convert_element_type3A_33 = arith.extui %eq3A_32 : vector<2048x64xi1> to vector<2048x64xi32>
    %convert_element_type3A_34 = arith.sitofp %convert_element_type3A_33 : vector<2048x64xi32> to vector<2048x64xf32>
    %get3A_35 = arith.constant 0 : index
    %get3A_36 = arith.constant 0 : index
    %get3A_37 = vector.load %arg9[%get3A_35, %get3A_36] : memref<64x128xf32, #tpu.memory_space<vmem>>, vector<64x128xf32>
    %dot_general3A = arith.constant dense<0.000000e+00> : vector<64x128xf32>
    %dot_general3A_38 = tpu.matmul %convert_element_type3A_34, %max3A_25, %dot_general3A {dimension_numbers = #tpu.dot_dimension_numbers<[0], [0], [1], [1], [0, 1, 1, 1], [], []>, transpose_lhs_hint = false} : vector<2048x64xf32>, vector<2048x128xf32>, vector<64x128xf32> -> vector<64x128xf32>
    %add3A_39 = arith.addf %get3A_37, %dot_general3A_38 : vector<64x128xf32>
    %swap3A = arith.constant 0 : index
    %swap3A_40 = arith.constant 0 : index
    %swap3A_41 = vector.load %arg9[%swap3A, %swap3A_40] : memref<64x128xf32, #tpu.memory_space<vmem>>, vector<64x128xf32>
    tpu.vector_store %arg9[%swap3A, %swap3A_40], %add3A_39 {strides = array<i32>} : memref<64x128xf32, #tpu.memory_space<vmem>>, vector<64x128xf32>,
    %get3A_42 = arith.constant 0 : index
    %get3A_43 = arith.constant 0 : index
    %get3A_44 = vector.load %arg10[%get3A_42, %get3A_43] : memref<64x128xf32, #tpu.memory_space<vmem>>, vector<64x128xf32>
    %broadcast_in_dim3A = arith.constant 1.000000e+00 : f32
    %broadcast_in_dim3A_45 = vector.broadcast %broadcast_in_dim3A : f32 to vector<2048x128xf32>
    %dot_general3A_46 = arith.constant dense<0.000000e+00> : vector<64x128xf32>
    %dot_general3A_47 = tpu.matmul %convert_element_type3A_34, %broadcast_in_dim3A_45, %dot_general3A_46 {dimension_numbers = #tpu.dot_dimension_numbers<[0], [0], [1], [1], [0, 1, 1, 1], [], []>, transpose_lhs_hint = false} : vector<2048x64xf32>, vector<2048x128xf32>, vector<64x128xf32> -> vector<64x128xf32>
    %add3A_48 = arith.addf %get3A_44, %dot_general3A_47 : vector<64x128xf32>
    %swap3A_49 = arith.constant 0 : index
    %swap3A_50 = arith.constant 0 : index
    %swap3A_51 = vector.load %arg10[%swap3A_49, %swap3A_50] : memref<64x128xf32, #tpu.memory_space<vmem>>, vector<64x128xf32>
    tpu.vector_store %arg10[%swap3A_49, %swap3A_50], %add3A_48 {strides = array<i32>} : memref<64x128xf32, #tpu.memory_space<vmem>>, vector<64x128xf32>,
    %eq3A_52 = arith.constant 4 : i32
    %eq3A_53 = arith.cmpi eq, %arg0, %eq3A_52 : i32
    %convert_element_type3A_54 = arith.extui %eq3A_53 : i1 to i32
    %cond3A_55 = arith.constant 0 : i32
    %cond3A_56 = arith.cmpi ne, %convert_element_type3A_54, %cond3A_55 : i32
    scf.if %cond3A_56 {
      %get3A_57 = arith.constant 0 : index
      %get3A_58 = arith.constant 0 : index
      %get3A_59 = vector.load %arg9[%get3A_57, %get3A_58] : memref<64x128xf32, #tpu.memory_space<vmem>>, vector<64x128xf32>
      %get3A_60 = arith.constant 0 : index
      %get3A_61 = arith.constant 0 : index
      %get3A_62 = vector.load %arg10[%get3A_60, %get3A_61] : memref<64x128xf32, #tpu.memory_space<vmem>>, vector<64x128xf32>
      %max3A_63 = arith.constant 1.000000e+00 : f32
      %max3A_64 = vector.broadcast %max3A_63 : f32 to vector<64x128xf32>
      %max3A_65 = arith.maximumf %get3A_62, %max3A_64 : vector<64x128xf32>
      %div3A = arith.divf %get3A_59, %max3A_65 : vector<64x128xf32>
      %get3A_66 = arith.constant 0 : index
      %get3A_67 = arith.constant 0 : index
      %get3A_68 = vector.load %arg6[%get3A_66, %get3A_67] : memref<128x128xf32, #tpu.memory_space<vmem>>, vector<128x128xf32>
      %dot_general3A_69 = arith.constant dense<0.000000e+00> : vector<64x128xf32>
      %dot_general3A_70 = tpu.matmul %div3A, %get3A_68, %dot_general3A_69 {dimension_numbers = #tpu.dot_dimension_numbers<[1], [0], [0], [1], [0, 0, 1, 1], [], []>, transpose_lhs_hint = false} : vector<64x128xf32>, vector<128x128xf32>, vector<64x128xf32> -> vector<64x128xf32>
      %get3A_71 = arith.constant 0 : index
      %get3A_72 = arith.constant 0 : index
      %get3A_73 = vector.load %arg7[%get3A_71, %get3A_72] : memref<1x128xf32, #tpu.memory_space<vmem>>, vector<1x128xf32>
      %add3A_74 = vector.broadcast %get3A_73 : vector<1x128xf32> to vector<64x128xf32>
      %add3A_75 = arith.addf %dot_general3A_70, %add3A_74 : vector<64x128xf32>
      %logistic3A = arith.negf %add3A_75 : vector<64x128xf32>
      %logistic3A_76 = math.exp %logistic3A : vector<64x128xf32>
      %logistic3A_77 = arith.constant 1.000000e+00 : f32
      %logistic3A_78 = vector.broadcast %logistic3A_77 : f32 to vector<64x128xf32>
      %logistic3A_79 = arith.addf %logistic3A_78, %logistic3A_76 : vector<64x128xf32>
      %logistic3A_80 = arith.divf %logistic3A_78, %logistic3A_79 : vector<64x128xf32>
      %swap3A_81 = arith.constant 0 : index
      %swap3A_82 = arith.constant 0 : index
      %swap3A_83 = vector.load %arg8[%swap3A_81, %swap3A_82] : memref<64x128xf32, #tpu.memory_space<vmem>>, vector<64x128xf32>
      tpu.vector_store %arg8[%swap3A_81, %swap3A_82], %logistic3A_80 {strides = array<i32>} : memref<64x128xf32, #tpu.memory_space<vmem>>, vector<64x128xf32>,
    } else {
    }
    return
  }
  func.func @transform_0(%arg0: i32) -> (i32, i32, i32) {
    %c0_i32 = arith.constant 0 : i32
    %c0_i32_0 = arith.constant 0 : i32
    %c0_i32_1 = arith.constant 0 : i32
    return %c0_i32, %arg0, %c0_i32_0 : i32, i32, i32
  }
  func.func @transform_1(%arg0: i32) -> (i32, i32) {
    %c0_i32 = arith.constant 0 : i32
    %c0_i32_0 = arith.constant 0 : i32
    return %arg0, %c0_i32 : i32, i32
  }
  func.func @transform_2(%arg0: i32) -> (i32, i32) {
    %c0_i32 = arith.constant 0 : i32
    %c0_i32_0 = arith.constant 0 : i32
    return %arg0, %c0_i32 : i32, i32
  }
  func.func @transform_3(%arg0: i32) -> (i32, i32) {
    %c0_i32 = arith.constant 0 : i32
    %c0_i32_0 = arith.constant 0 : i32
    %c0_i32_1 = arith.constant 0 : i32
    return %c0_i32, %c0_i32_0 : i32, i32
  }
  func.func @transform_4(%arg0: i32) -> (i32, i32) {
    %c0_i32 = arith.constant 0 : i32
    %c0_i32_0 = arith.constant 0 : i32
    return %arg0, %c0_i32 : i32, i32
  }
  func.func @transform_5(%arg0: i32) -> (i32, i32) {
    %c0_i32 = arith.constant 0 : i32
    %c0_i32_0 = arith.constant 0 : i32
    %c0_i32_1 = arith.constant 0 : i32
    return %c0_i32, %c0_i32_0 : i32, i32
  }
  func.func @transform_6(%arg0: i32) -> (i32, i32) {
    %c0_i32 = arith.constant 0 : i32
    %c0_i32_0 = arith.constant 0 : i32
    %c0_i32_1 = arith.constant 0 : i32
    return %c0_i32, %c0_i32_0 : i32, i32
  }
  func.func @transform_7(%arg0: i32) -> (i32, i32) {
    %c0_i32 = arith.constant 0 : i32
    %c0_i32_0 = arith.constant 0 : i32
    %c0_i32_1 = arith.constant 0 : i32
    return %c0_i32, %c0_i32_0 : i32, i32
  }
}

</mosaic_0001>

<sc_bundles>
// kernel: kernel.11.cloned.1.call-start
scs
__scs_entry_jumppad:
0x0: {  	(pc) =	sbr.rel $0x88, $3  }
0x1: {  	(tag) =	ssettag $0x0;
	lr =	simm.s32 $0x1  }
0x2: {  	[smem:$0x3F98] =	sst lr;
	_ =	strace $0xD0000000  }
0x3: {  	_ = 	snop  }
0x4: {  	_ = 	snop  }
0x5: {  	_ = 	snop  }
0x6: {  	_ = 	snop  }
0x7: {  	_ = 	snop  }
__scs_overlays_trampoline_lowered:
0x8: {  	[smem:$0x3FA7] =	sst s0  }
0x9: {  	[smem:$0x3FA8] =	sst s1  }
0xa: {  	[smem:$0x3FA9] =	sst s2  }
0xb: {  	[smem:$0x3FAA] =	sst s3  }
0xc: {  	[smem:$0x3FAB] =	sst s4  }
0xd: {  	[smem:$0x3FAC] =	sst s5  }
0xe: {  	[smem:$0x3FAD] =	sst s6  }
0xf: {  	[smem:$0x3FAE] =	sst s7  }
0x10: {  	[smem:$0x3FAF] =	sst s8  }
0x11: {  	[smem:$0x3FB0] =	sst s9;
	s0 =	simm.s32 @!p0 $0x0  }
0x12: {  	s1 =	sld [smem:$0x3F96];
	s0 =	simm.s32 @p0 $0x1  }
0x13: {  	[smem:$0x3FB1] =	sst s0;
	s0 =	simm.s32 @!p1 $0x0  }
0x14: {  	s2 =	sld [smem:$0x3F95];
	s0 =	simm.s32 @p1 $0x1  }
0x15: {  	[smem:$0x3FB2] =	sst s0;
	s0 =	simm.s32 @!p2 $0x0  }
0x16: {  	s3 =	sld [smem:$0x3FDB];
	s0 =	simm.s32 @p2 $0x1  }
0x17: {  	s4 =	simm.s32 $0x1BF5;
	[smem:$0x3FB4] =	sst s0  }
0x18: {  	s0 =	sld [smem:$0x3F97];
	_ =	swait.ge [sflag:s4], $0x0  }
0x19: {  	s7 =	sld [smem:$0x3F98]  }
0x1a: {  	s8 =	sadd.s32 $0xFFFFE003, lr  }
0x1b: {  	s9 =	sadd.s32 $0xFFFFFEF7, lr;
	s5 =	simm.s32 $0xFFFFFFFF;
	p2 =	slt.u32 s8, $0xFFFFF086  }
0x1c: {  	p1 =	slt.u32 s9, $0xF7A;
	s5 =	simm.s32 @!p2 $0x0  }
0x1d: {  	s5 =	simm.s32 @p1 $0x1;
	p0 =	seq.s32 s7, s2  }
0x1e: {  	s7 =	smul.u32 @!p0 $0xF7A, s2;
	p2 =	seq.s32 @!p0 s5, $0x0  }
0x1f: {  	s9 =	smul.u32 $0xF7A, s1;
	s8 =	simm.s32 @!p0 $0x1BF5;
	p2 =	por !p2, p0  }
0x20: {  	[sflag:s8] =	ssyncset.s32 @!p0 $0xFFFFF086;
	s6 =	sadd.s32 @!p0 s3, s7;
	s7 =	simm.s32 @!p0 $0x108  }
0x21: {  	s3 =	sadd.s32 s3, s9;
	s6 =	sadd.s32 @!p0 $0x88, s6;
	s7 =	simm.s32 @p2 $0x1082  }
0x22: {  	[simem:s7], [sflag:s8] =	dma.local @!p0 [hbm:s6], $0xF7A  }
0x23: {  	s9 =	sor.u32 $0xD0000000, s2;
	s6 =	simm.s32 $0x108;
	_ =	swait.ge @!p0 [sflag:s8], $0x0  }
0x24: {  	s3 =	sadd.s32 $0x88, s3;
	s6 =	simm.s32 @!p1 $0x1082;
	[sflag:s4] =	ssyncset.s32 $0xFFFFF086  }
0x25: {  	[simem:s6], [sflag:s4] =	dma.local [hbm:s3], $0xF7A  }
0x26: {  	[smem:$0x3F98] =	sst s1;
	(tag) =	ssettag s2;
	_ =	strace s9  }
0x27: {  	s1 =	sld [smem:$0x3FA8]  }
0x28: {  	s2 =	sld [smem:$0x3FA9]  }
0x29: {  	s4 =	sld [smem:$0x3FAB]  }
0x2a: {  	p0 =	seq.s32 s5, $0x0;
	s5 =	sld [smem:$0x3FAC]  }
0x2b: {  	s6 =	sld [smem:$0x3FAD]  }
0x2c: {  	s7 =	sld [smem:$0x3FAE]  }
0x2d: {  	s3 =	simm.s32 $0x108;
	s8 =	sld [smem:$0x3FAF]  }
0x2e: {  	s3 =	simm.s32 @!p0 $0x1082;
	s9 =	sld [smem:$0x3FB0]  }
0x2f: {  	lr =	sadd.s32 s0, s3;
	s0 =	sld [smem:$0x3FA7]  }
0x30: {  	s3 =	sld [smem:$0x3FAA]  }
0x31: {  	[smem:$0x3FB3] =	sst s10  }
0x32: {  	s10 =	sld [smem:$0x3FB1];
	_ =	sdelay $0x3  }
0x33: {  	p0 =	seq.s32 s10, $0x1;
	s10 =	sld [smem:$0x3FB3];
	_ =	sdelay $0x3  }
0x34: {  	[smem:$0x3FB3] =	sst s10  }
0x35: {  	s10 =	sld [smem:$0x3FB2];
	_ =	sdelay $0x3  }
0x36: {  	p1 =	seq.s32 s10, $0x1;
	s10 =	sld [smem:$0x3FB3];
	_ =	sdelay $0x3  }
0x37: {  	[smem:$0x3FB3] =	sst s10  }
0x38: {  	s10 =	sld [smem:$0x3FB4]  }
0x39: {  	_ = 	snop;
	(pc) =	sbr.ind lr, $3  }
0x3a: {  	_ = 	snop  }
0x3b: {  	_ = 	snop  }
0x3c: {  	p2 =	seq.s32 s10, $0x1;
	s10 =	sld [smem:$0x3FB3]  }
0x3d: {  	_ =	shalt  }
0x3e: {  	_ =	shalt  }
0x3f: {  	_ =	shalt  }
0x40: {  	_ =	shalt  }
0x41: {  	_ =	shalt  }
0x42: {  	_ =	shalt  }
0x43: {  	_ =	shalt  }
0x44: {  	_ =	shalt  }
0x45: {  	_ =	shalt  }
0x46: {  	_ =	shalt  }
0x47: {  	_ =	shalt  }
0x48: {  	_ =	shalt  }
0x49: {  	_ =	shalt  }
0x4a: {  	_ =	shalt  }
0x4b: {  	_ =	shalt  }
0x4c: {  	_ =	shalt  }
0x4d: {  	_ =	shalt  }
0x4e: {  	_ =	shalt  }
0x4f: {  	_ =	shalt  }
0x50: {  	_ =	shalt  }
0x51: {  	_ =	shalt  }
0x52: {  	_ =	shalt  }
0x53: {  	_ =	shalt  }
0x54: {  	_ =	shalt  }
0x55: {  	_ =	shalt  }
0x56: {  	_ =	shalt  }
0x57: {  	_ =	shalt  }
0x58: {  	_ =	shalt  }
0x59: {  	_ =	shalt  }
0x5a: {  	_ =	shalt  }
0x5b: {  	_ =	shalt  }
0x5c: {  	_ =	shalt  }
0x5d: {  	_ =	shalt  }
0x5e: {  	_ =	shalt  }
0x5f: {  	_ =	shalt  }
0x60: {  	_ =	shalt  }
0x61: {  	_ =	shalt  }
0x62: {  	_ =	shalt  }
0x63: {  	_ =	shalt  }
0x64: {  	_ =	shalt  }
0x65: {  	_ =	shalt  }
0x66: {  	_ =	shalt  }
0x67: {  	_ =	shalt  }
0x68: {  	_ =	shalt  }
0x69: {  	_ =	shalt  }
0x6a: {  	_ =	shalt  }
0x6b: {  	_ =	shalt  }
0x6c: {  	_ =	shalt  }
0x6d: {  	_ =	shalt  }
0x6e: {  	_ =	shalt  }
0x6f: {  	_ =	shalt  }
0x70: {  	_ =	shalt  }
0x71: {  	_ =	shalt  }
0x72: {  	_ =	shalt  }
0x73: {  	_ =	shalt  }
0x74: {  	_ =	shalt  }
0x75: {  	_ =	shalt  }
0x76: {  	_ =	shalt  }
0x77: {  	_ =	shalt  }
0x78: {  	_ =	shalt  }
0x79: {  	_ =	shalt  }
0x7a: {  	_ =	shalt  }
0x7b: {  	_ =	shalt  }
0x7c: {  	_ =	shalt  }
0x7d: {  	_ =	shalt  }
0x7e: {  	_ =	shalt  }
0x7f: {  	_ =	shalt  }
0x80: {  	_ =	shalt  }
0x81: {  	_ =	shalt  }
0x82: {  	_ =	shalt  }
0x83: {  	_ =	shalt  }
0x84: {  	_ =	shalt  }
0x85: {  	_ =	shalt  }
0x86: {  	_ =	shalt  }
0x87: {  	_ =	shalt  }
.Lfunc_end0:
.L_simem_size_0:
called_computation.1_lowered:
.L_overlay_start_0:
0x88: {  	s2 =	sld [smem:$0x3FD9]  }
0x89: {  	s3 =	sld [smem:$0x3FFE];
	_ =	sdelay $0x1  }
0x8a: {  	s1 =	srdreg.scid  }
0x8b: {  	s0 =	sand.u32 $0x1, s1  }
0x8c: {  	s16 =	sshll.u32 s0, $0xA;
	s2 =	sadd.s32 s3, s2  }
0x8d: {  	s2 =	sadd.s32 s2, s16  }
0x8e: {  	[smem:$0x3FBF] =	sst s2  }
0x8f: {  	_ = 	snop  }
0x90: {  	(tm) =	ssettm $0x1  }
0x91: {  	s17 =	sld [smem:$0x3FFB];
	_ =	sdelay $0x3  }
0x92: {  	_ =	strace s17  }
0x93: {  	s2 =	sld [smem:$0x3FFC];
	_ =	sdelay $0x3  }
0x94: {  	_ =	strace s2  }
0x95: {  	s2 =	sld [smem:$0x3FFD];
	_ =	sdelay $0x3  }
0x96: {  	_ =	strace s2  }
0x97: {  	_ =	strace $0x8FFFFFFF  }
0x98: {  	s18 =	sld [smem:$0x3FDB];
	_ =	sdelay $0x1  }
0x99: {  	s19 =	simm.s32 $_scs_section_size  }
0x9a: {  	s4 =	simm.s32 $_size__tile_overlayer_lowered;
	s5 =	simm.s32 $_tile_overlayer_lowered  }
0x9b: {  	s22 =	simm.s32 $0x1BFF;
	s21 =	sshll.u32 s5, $0x1;
	s2 =	sadd.s32 s19, s18  }
0x9c: {  	s6 =	simm.s32 $0x0;
	s20 =	sshll.u32 s4, $0x1;
	s4 =	sadd.s32 s21, s2  }
0x9d: {  	[timem:s6], [sflag:s22] =	dma.local [hbm:s4], s20  }
0x9e: {  	_ =	swait.ge [sflag:s22], s20  }
0x9f: {  	s3 =	ssub.s32 $0x0, s20;
	[sflag:s22] =	ssyncset.done $0x0  }
0xa0: {  	[sflag:s22] =	ssyncadd.s32 s3;
	_ =	sdelay $0x1  }
0xa1: {  	s23 =	simm.s32 $0x1B8B  }
0xa2: {  	_ =	swait.ge [sflag:s23], $0x1  }
0xa3: {  	[sflag:s23] =	ssyncset.done $0x0  }
0xa4: {  	s25 =	simm.s32 $0x1B8E;
	s24 =	sld [smem:$0x3FFE];
	[sflag:s23] =	ssyncadd.s32 $0xFFFFFFFF  }
0xa5: {  	s26 =	simm.s32 $execute0_lowered;
	[smem:$0x3FD2] =	sst s25  }
0xa6: {  	s4 =	sshll.u32 s26, $0x1;
	_ =	strace $0x80000049;
	[dreg:$0x1] =	wrdreg $0xFFFFFFFF  }
0xa7: {  	s28 =	simm.s32 $_size_execute0_lowered;
	s2 =	sadd.s32 s2, s4;
	[dreg:$0x0] =	wrdreg $0x0  }
0xa8: {  	s4 =	sshll.u32 s28, $0x1;
	[dreg:$0x2] =	wrdreg s2  }
0xa9: {  	[dreg:$0x3] =	wrdreg s4  }
0xaa: {  	[dreg:$0x4] =	wrdreg $0xC0  }
0xab: {  	_ =	task [dreg:s6], $0x5FFFF  }
0xac: {  	[dreg:$0x1] =	wrdreg $0xFFFFFFFF  }
0xad: {  	[dreg:$0x0] =	wrdreg $0x60  }
0xae: {  	[dreg:$0x2] =	wrdreg s24  }
0xaf: {  	[dreg:$0x3] =	wrdreg $0x60000  }
0xb0: {  	[dreg:$0x4] =	wrdreg $0x9  }
0xb1: {  	_ =	task.clear_ibuf [dreg:s6], $0x5FFFF;
	_ =	strace $0x90000049  }
0xb2: {  	s29 =	simm.s32 $0x9;
	_ =	strace $0x8000004B  }
0xb3: {  	_ =	swait.ge [sflag:s29], $0x1  }
0xb4: {  	[sflag:s29] =	ssyncadd.s32 $0xFFFFFFFF  }
0xb5: {  	_ =	strace $0x9000004B  }
0xb6: {  	_ =	sfence  }
0xb7: {  	s30 =	sld [smem:$0x0];
	_ =	sdelay $0x2  }
0xb8: {  	s31 =	sshll.u32 s1, $0xD;
	s1 =	sshrl.u32 s1, $0x2  }
0xb9: {  	s3 =	sand.u32 $0x4000, s31;
	s1 =	sadd.s32 s1, s30  }
0xba: {  	s0 =	sor.u32 s3, s0;
	s1 =	sshll.u32 s1, $0x11  }
0xbb: {  	s0 =	sor.u32 s1, s0  }
0xbc: {  	s0 =	sadd.s32 $0x8F2B, s0  }
0xbd: {  	[sflag:s0] =	ssyncadd.remote.s32 $0x1  }
0xbe: {  	_ =	sfence.sel $0xFFFF  }
0xbf: {  	[dreg:$0x0] =	wrdreg $0xFFFFFFFF;
	(pc) =	sbr.abs _section_cstart, $3  }
0xc0: {  	[dreg:$0x1] =	wrdreg $0xFFFFFFFF  }
0xc1: {  	_ =	task.clear_ibuf [dreg:s6], $0x2FFFF;
	_ =	strace $0x9FFFFFFF  }
0xc2: {  	(tm) =	ssettm $0x7FFFFFFF  }
0xc3: {  	_ =	shalt  }
tec
execute0_lowered:
.L_overlay_start_1:
0x0: {  	(tag) =	ssettag $0x1  }
0x1: {  	s7 =	rddreg [dreg:$0x0]  }
0x2: {  	s2 =	rddreg [dreg:$0x1]  }
0x3: {  	s0 =	rddreg [dreg:$0x2];
	s3 =	simm.s32 $0x0;
	s1 =	stileid.u32  }
0x4: {  	s4 =	srdreg.scid;
	s15 =	simm.s32 $0x50;
	s16 =	simm.s32 $0x1000  }
0x5: {  	s17 =	simm.s32 $0x3800;
	s18 =	simm.s32 $0x1;
	s19 =	simm.s32 $0x3  }
0x6: {  	s20 =	simm.s32 $0x2;
	s21 =	simm.s32 $0x4;
	s22 =	simm.s32 $0xF80  }
0x7: {  	[smem:$0x7FF] =	sst s3;
	s8 =	smul.u32 $0x14000, s1;
	s9 =	sand.u32 $0x1, s4  }
0x8: {  	s4 =	sadd.s32 $0x3DE00, s7;
	s5 =	sadd.s32 $0x2200, s7;
	s6 =	sadd.s32 $0xC000, s7  }
0x9: {  	s12 =	smul.u32 $0x50000, s1;
	s31 =	sshll.u32 s1, $0x6;
	_ =	strace $0x8000004A  }
0xa: {  	s10 =	smul.u32 $0x140000, s9;
	s25 =	ssub.s32 $0x2, s9;
	s28 =	sshll.u32 s9, $0x4  }
0xb: {  	s9 =	sor.u32 $0x1C05, s31;
	s11 =	sshrl.u32 s8, $0x3;
	s26 =	sshrl.u32 s25, $0x1  }
0xc: {  	s29 =	sor.u32 s1, s28;
	s30 =	sshrl.u32 s12, $0x2;
	s8 =	sadd.s32 s8, s10  }
0xd: {  	s11 =	sadd.s32 s11, s7;
	s12 =	sadd.s32 s30, s2;
	s8 =	sshrl.u32 s8, $0x3  }
0xe: {  	s14 =	ssub.s32 s25, s26;
	s12 =	sshrl.u32 s12, $0x3;
	s13 =	sadd.s32 s8, s7  }
0xf: {  	s7 =	smul.u32 $0x2710, s29;
	s8 =	sadd.s32 $0x15E00, s11;
	s11 =	smax.u32 s14, $0x1  }
0x10: {  	s14 =	simm.s32 $0x800;
	s10 =	sadd.s32 $0x65E00, s13;
	s13 =	simm.s32 $0x5  }
.LBB2_1:
0x11: {  	[spmem:s12], [sflag:s9] =	dma.local [hbm:s8], $0x2800  }
0x12: {  	_ =	swait.ge [sflag:s13], $0x2800  }
0x13: {  	[sflag:s13] =	ssyncset.done $0x0  }
0x14: {  	[sflag:s13] =	ssyncadd.s32 $0xFFFFD800  }
0x15: {  	s23 =	simm.s32 $0x0;
	[bflag:$0x0] =	sbarrier.arrive $0xFFFF  }
.LBB2_2:
0x16: {  	s24 =	smul.u32 $0x7D0, s23;
	_ =	sdelay $0x1  }
0x17: {  	s24 =	sadd.s32 s7, s24  }
0x18: {  	s24 =	sshrl.u32 s24, $0x3  }
0x19: {  	s26 =	simm.s32 $0x0;
	s25 =	sadd.s32 s5, s24  }
0x1a: {  	[tilespmem:s26], [sflag:$0x5] =	stream.linear.gather [hbm4b:s25+s26], $0x7D0, $0x38;
	[tilespmem:$0x1A000] =	vst v63  }
0x1b: {  	_ =	swait.ge [sflag:s13], $0x7D0  }
0x1c: {  	[sflag:s13] =	ssyncset.done $0x0  }
0x1d: {  	s24 =	sadd.s32 s6, s24;
	[sflag:s13] =	ssyncadd.s32 $0xFFFFF830  }
0x1e: {  	[tilespmem:s14], [sflag:$0x5] =	stream.linear.gather [hbm4b:s24+s26], $0x7D0, $0x38;
	[tilespmem:$0x1A000] =	vst v63  }
0x1f: {  	_ =	swait.ge [sflag:s13], $0x7D0  }
0x20: {  	[sflag:s13] =	ssyncset.done $0x0  }
0x21: {  	[sflag:s13] =	ssyncadd.s32 $0xFFFFF830  }
0x22: {  	[tilespmem:s16], [sflag:$0x1] =	stream.indirect.gather [hbm4b:s4+s15], $0x80, s26, s15, $0xb8;
	[tilespmem:$0x1A000] =	vst v63  }
0x23: {  	_ = 	snop  }
0x24: {  	[tilespmem:s17], [sflag:$0x2] =	stream.indirect.gather [hbm4b:s4+s15], $0x80, s15, s15, $0xb8;
	[tilespmem:$0x1A000] =	vst v63  }
0x25: {  	_ =	swait.ge [sflag:s18], $0x2800  }
0x26: {  	[sflag:s18] =	ssyncset.done $0x0  }
0x27: {  	s29 =	simm.s32 $0x800;
	[sflag:s18] =	ssyncadd.s32 $0xFFFFD800  }
0x28: {  	[spmem:s2] =	stream.indirect.scatter.add.f32 [tilespmem:s16], [sflag:$0x3], $0x80, s29, s15, $0xb8;
	[tilespmem:$0x1A000] =	vst v63  }
0x29: {  	_ =	swait.ge [sflag:s19], $0x2800  }
0x2a: {  	[sflag:s19] =	ssyncset.done $0x0  }
0x2b: {  	s30 =	simm.s32 $0xA0;
	[sflag:s19] =	ssyncadd.s32 $0xFFFFD800  }
0x2c: {  	[tilespmem:s16], [sflag:$0x1] =	stream.indirect.gather [hbm4b:s4+s15], $0x80, s30, s15, $0xb8;
	[tilespmem:$0x1A000] =	vst v63  }
0x2d: {  	_ =	swait.ge [sflag:s20], $0x2800  }
0x2e: {  	[sflag:s20] =	ssyncset.done $0x0  }
0x2f: {  	s31 =	simm.s32 $0x850;
	[sflag:s20] =	ssyncadd.s32 $0xFFFFD800  }
0x30: {  	[spmem:s2] =	stream.indirect.scatter.add.f32 [tilespmem:s17], [sflag:$0x4], $0x80, s31, s15, $0xb8;
	[tilespmem:$0x1A000] =	vst v63  }
0x31: {  	_ =	swait.ge [sflag:s21], $0x2800  }
0x32: {  	[sflag:s21] =	ssyncset.done $0x0  }
0x33: {  	s25 =	simm.s32 $0xF0;
	s24 =	simm.s32 $0x280;
	[sflag:s21] =	ssyncadd.s32 $0xFFFFD800  }
.LBB2_3:
0x34: {  	[tilespmem:s17], [sflag:$0x2] =	stream.indirect.gather [hbm4b:s4+s15], $0x80, s25, s15, $0xb8;
	[tilespmem:$0x1A000] =	vst v63  }
0x35: {  	s25 =	smov.u32 s24;
	s24 =	sadd.s32 $0x280, s24;
	_ =	swait.ge [sflag:s18], $0x2800  }
0x36: {  	s25 =	sshra.s32 s25, $0x2;
	p0 =	sne.s32 s24, $0x1B80;
	[sflag:s18] =	ssyncset.done $0x0  }
0x37: {  	s26 =	sadd.s32 $0x800, s25;
	[sflag:s18] =	ssyncadd.s32 $0xFFFFD800  }
0x38: {  	[spmem:s2] =	stream.indirect.scatter.add.f32 [tilespmem:s16], [sflag:$0x3], $0x80, s26, s15, $0xb8;
	[tilespmem:$0x1A000] =	vst v63  }
0x39: {  	_ =	swait.ge [sflag:s19], $0x2800  }
0x3a: {  	[sflag:s19] =	ssyncset.done $0x0  }
0x3b: {  	s26 =	sadd.s32 $0xA0, s25;
	[sflag:s19] =	ssyncadd.s32 $0xFFFFD800  }
0x3c: {  	[tilespmem:s16], [sflag:$0x1] =	stream.indirect.gather [hbm4b:s4+s15], $0x80, s26, s15, $0xb8;
	[tilespmem:$0x1A000] =	vst v63  }
0x3d: {  	_ =	swait.ge [sflag:s20], $0x2800  }
0x3e: {  	[sflag:s20] =	ssyncset.done $0x0  }
.Ltmp0:
0x3f: {  	s26 =	sadd.s32 $0x850, s25;
	[sflag:s20] =	ssyncadd.s32 $0xFFFFD800;
	(pc) =	sbr.rel @p0 .LBB2_3-.Ltmp0, $4  }
0x40: {  	[spmem:s2] =	stream.indirect.scatter.add.f32 [tilespmem:s17], [sflag:$0x4], $0x80, s26, s15, $0xb8;
	[tilespmem:$0x1A000] =	vst v63  }
0x41: {  	_ =	swait.ge [sflag:s21], $0x2800  }
0x42: {  	[sflag:s21] =	ssyncset.done $0x0  }
0x43: {  	s25 =	sadd.s32 $0xF0, s25;
	[sflag:s21] =	ssyncadd.s32 $0xFFFFD800  }
0x44: {  	[tilespmem:s17], [sflag:$0x2] =	stream.indirect.gather [hbm4b:s4+s15], $0x80, s25, s15, $0xb8;
	[tilespmem:$0x1A000] =	vst v63  }
0x45: {  	_ =	swait.ge [sflag:s18], $0x2800  }
0x46: {  	s24 =	sshra.s32 s24, $0x2;
	[sflag:s18] =	ssyncset.done $0x0  }
0x47: {  	s30 =	sadd.s32 $0x800, s24;
	[sflag:s18] =	ssyncadd.s32 $0xFFFFD800  }
0x48: {  	[spmem:s2] =	stream.indirect.scatter.add.f32 [tilespmem:s16], [sflag:$0x3], $0x80, s30, s15, $0xb8;
	[tilespmem:$0x1A000] =	vst v63  }
0x49: {  	_ =	swait.ge [sflag:s19], $0x2800  }
0x4a: {  	[sflag:s19] =	ssyncset.done $0x0  }
0x4b: {  	s31 =	sadd.s32 $0xA0, s24;
	[sflag:s19] =	ssyncadd.s32 $0xFFFFD800  }
0x4c: {  	[tilespmem:s16], [sflag:$0x1] =	stream.indirect.gather [hbm4b:s4+s15], $0x80, s31, s15, $0xb8;
	[tilespmem:$0x1A000] =	vst v63  }
0x4d: {  	_ =	swait.ge [sflag:s20], $0x2800  }
0x4e: {  	[sflag:s20] =	ssyncset.done $0x0  }
0x4f: {  	s24 =	sadd.s32 $0x850, s24;
	[sflag:s20] =	ssyncadd.s32 $0xFFFFD800  }
0x50: {  	[spmem:s2] =	stream.indirect.scatter.add.f32 [tilespmem:s17], [sflag:$0x4], $0x80, s24, s15, $0xb8;
	[tilespmem:$0x1A000] =	vst v63  }
0x51: {  	_ =	swait.ge [sflag:s18], $0x2800  }
0x52: {  	[sflag:s18] =	ssyncset.done $0x0  }
0x53: {  	s23 =	sadd.s32 $0x1, s23;
	[sflag:s18] =	ssyncadd.s32 $0xFFFFD800  }
0x54: {  	[spmem:s2] =	stream.indirect.scatter.add.f32 [tilespmem:s16], [sflag:$0x3], $0x80, s22, s15, $0xb8;
	[tilespmem:$0x1A000] =	vst v63  }
0x55: {  	p0 =	sne.s32 s23, $0x5;
	_ =	swait.ge [sflag:s19], $0x2800  }
.Ltmp1:
0x56: {  	[sflag:s19] =	ssyncset.done $0x0;
	(pc) =	sbr.rel @p0 .LBB2_2-.Ltmp1, $4  }
0x57: {  	[sflag:s19] =	ssyncadd.s32 $0xFFFFD800  }
0x58: {  	_ =	swait.ge [sflag:s21], $0x2800  }
0x59: {  	[sflag:s21] =	ssyncset.done $0x0  }
0x5a: {  	[sflag:s21] =	ssyncadd.s32 $0xFFFFD800  }
0x5b: {  	s3 =	sadd.s32 $0x1, s3  }
0x5c: {  	p0 =	sne.s32 s3, s11  }
.Ltmp2:
0x5d: {  	[bflag:$0x0] =	sbarrier.arrive $0xFFFF;
	(pc) =	sbr.rel @p0 .LBB2_1-.Ltmp2, $4  }
0x5e: {  	[hbm:s10], [sflag:s9] =	dma.local [spmem:s12], $0x2800  }
0x5f: {  	_ =	swait.ge [sflag:s13], $0x2800  }
0x60: {  	[sflag:s13] =	ssyncset.done $0x0  }
0x61: {  	[sflag:s13] =	ssyncadd.s32 $0xFFFFD800  }
0x62: {  	_ =	sfence.sel $0x180000  }
0x63: {  	[bflag:$0x0] =	sbarrier.arrive $0xFFFF  }
0x64: {  	p0 =	sne.s32 s1, $0x0;
	_ =	strace $0x9000004A  }
0x65: {  	s0 =	sadd.s32 @!p0 $0x100000, s0;
	[bflag:$0x2] =	sbarrier.arrive $0xFFFF  }
0x66: {  	[sflag:s0] =	ssyncadd.tile.s32 @!p0 $0x1;
	_ =	shalt  }
.Lfunc_end2:
_tile_overlayer_lowered:
.L_overlay_start_2:
0x67: {  	(tag) =	ssettag $0x2  }
0x68: {  	s0 =	rddreg [dreg:$0x0];
	s2 =	stileid.u32  }
0x69: {  	s1 =	rddreg [dreg:$0x1];
	p0 =	sne.s32 s2, $0x0  }
0x6a: {  	s3 =	rddreg [dreg:$0x2];
	[bflag:$0x3] =	sbarrier.arrive $0xFFFF;
	s2 =	simm.s32 @!p0 $0x1C05  }
0x6b: {  	[timem:s3], [sflag:s2] =	dma.local @!p0 [hbm:s0], s1  }
0x6c: {  	s0 =	simm.s32 @!p0 $0x5  }
0x6d: {  	_ =	swait.ge @!p0 [sflag:s0], s1  }
0x6e: {  	s1 =	ssub.s32 @!p0 $0x0, s1;
	[sflag:s0] =	ssyncset.done @!p0 $0x0  }
0x6f: {  	[sflag:s0] =	ssyncadd.s32 @!p0 s1  }
0x70: {  	[bflag:$0x3] =	sbarrier.arrive $0xFFFF  }
0x71: {  	_ =	shalt  }

// kernel: kernel.14.cloned.1.call-start
scs
__scs_entry_jumppad:
0x0: {  	(pc) =	sbr.rel $0x88, $3  }
0x1: {  	(tag) =	ssettag $0x0;
	lr =	simm.s32 $0x1  }
0x2: {  	[smem:$0x3F98] =	sst lr;
	_ =	strace $0xD0000000  }
0x3: {  	_ = 	snop  }
0x4: {  	_ = 	snop  }
0x5: {  	_ = 	snop  }
0x6: {  	_ = 	snop  }
0x7: {  	_ = 	snop  }
__scs_overlays_trampoline_lowered:
0x8: {  	[smem:$0x3FA7] =	sst s0  }
0x9: {  	[smem:$0x3FA8] =	sst s1  }
0xa: {  	[smem:$0x3FA9] =	sst s2  }
0xb: {  	[smem:$0x3FAA] =	sst s3  }
0xc: {  	[smem:$0x3FAB] =	sst s4  }
0xd: {  	[smem:$0x3FAC] =	sst s5  }
0xe: {  	[smem:$0x3FAD] =	sst s6  }
0xf: {  	[smem:$0x3FAE] =	sst s7  }
0x10: {  	[smem:$0x3FAF] =	sst s8  }
0x11: {  	[smem:$0x3FB0] =	sst s9;
	s0 =	simm.s32 @!p0 $0x0  }
0x12: {  	s1 =	sld [smem:$0x3F96];
	s0 =	simm.s32 @p0 $0x1  }
0x13: {  	[smem:$0x3FB1] =	sst s0;
	s0 =	simm.s32 @!p1 $0x0  }
0x14: {  	s2 =	sld [smem:$0x3F95];
	s0 =	simm.s32 @p1 $0x1  }
0x15: {  	[smem:$0x3FB2] =	sst s0;
	s0 =	simm.s32 @!p2 $0x0  }
0x16: {  	s3 =	sld [smem:$0x3FDB];
	s0 =	simm.s32 @p2 $0x1  }
0x17: {  	s4 =	simm.s32 $0x1BF5;
	[smem:$0x3FB4] =	sst s0  }
0x18: {  	s0 =	sld [smem:$0x3F97];
	_ =	swait.ge [sflag:s4], $0x0  }
0x19: {  	s7 =	sld [smem:$0x3F98]  }
0x1a: {  	s8 =	sadd.s32 $0xFFFFE003, lr  }
0x1b: {  	s9 =	sadd.s32 $0xFFFFFEF7, lr;
	s5 =	simm.s32 $0xFFFFFFFF;
	p2 =	slt.u32 s8, $0xFFFFF086  }
0x1c: {  	p1 =	slt.u32 s9, $0xF7A;
	s5 =	simm.s32 @!p2 $0x0  }
0x1d: {  	s5 =	simm.s32 @p1 $0x1;
	p0 =	seq.s32 s7, s2  }
0x1e: {  	s7 =	smul.u32 @!p0 $0xF7A, s2;
	p2 =	seq.s32 @!p0 s5, $0x0  }
0x1f: {  	s9 =	smul.u32 $0xF7A, s1;
	s8 =	simm.s32 @!p0 $0x1BF5;
	p2 =	por !p2, p0  }
0x20: {  	[sflag:s8] =	ssyncset.s32 @!p0 $0xFFFFF086;
	s6 =	sadd.s32 @!p0 s3, s7;
	s7 =	simm.s32 @!p0 $0x108  }
0x21: {  	s3 =	sadd.s32 s3, s9;
	s6 =	sadd.s32 @!p0 $0x88, s6;
	s7 =	simm.s32 @p2 $0x1082  }
0x22: {  	[simem:s7], [sflag:s8] =	dma.local @!p0 [hbm:s6], $0xF7A  }
0x23: {  	s9 =	sor.u32 $0xD0000000, s2;
	s6 =	simm.s32 $0x108;
	_ =	swait.ge @!p0 [sflag:s8], $0x0  }
0x24: {  	s3 =	sadd.s32 $0x88, s3;
	s6 =	simm.s32 @!p1 $0x1082;
	[sflag:s4] =	ssyncset.s32 $0xFFFFF086  }
0x25: {  	[simem:s6], [sflag:s4] =	dma.local [hbm:s3], $0xF7A  }
0x26: {  	[smem:$0x3F98] =	sst s1;
	(tag) =	ssettag s2;
	_ =	strace s9  }
0x27: {  	s1 =	sld [smem:$0x3FA8]  }
0x28: {  	s2 =	sld [smem:$0x3FA9]  }
0x29: {  	s4 =	sld [smem:$0x3FAB]  }
0x2a: {  	p0 =	seq.s32 s5, $0x0;
	s5 =	sld [smem:$0x3FAC]  }
0x2b: {  	s6 =	sld [smem:$0x3FAD]  }
0x2c: {  	s7 =	sld [smem:$0x3FAE]  }
0x2d: {  	s3 =	simm.s32 $0x108;
	s8 =	sld [smem:$0x3FAF]  }
0x2e: {  	s3 =	simm.s32 @!p0 $0x1082;
	s9 =	sld [smem:$0x3FB0]  }
0x2f: {  	lr =	sadd.s32 s0, s3;
	s0 =	sld [smem:$0x3FA7]  }
0x30: {  	s3 =	sld [smem:$0x3FAA]  }
0x31: {  	[smem:$0x3FB3] =	sst s10  }
0x32: {  	s10 =	sld [smem:$0x3FB1];
	_ =	sdelay $0x3  }
0x33: {  	p0 =	seq.s32 s10, $0x1;
	s10 =	sld [smem:$0x3FB3];
	_ =	sdelay $0x3  }
0x34: {  	[smem:$0x3FB3] =	sst s10  }
0x35: {  	s10 =	sld [smem:$0x3FB2];
	_ =	sdelay $0x3  }
0x36: {  	p1 =	seq.s32 s10, $0x1;
	s10 =	sld [smem:$0x3FB3];
	_ =	sdelay $0x3  }
0x37: {  	[smem:$0x3FB3] =	sst s10  }
0x38: {  	s10 =	sld [smem:$0x3FB4]  }
0x39: {  	_ = 	snop;
	(pc) =	sbr.ind lr, $3  }
0x3a: {  	_ = 	snop  }
0x3b: {  	_ = 	snop  }
0x3c: {  	p2 =	seq.s32 s10, $0x1;
	s10 =	sld [smem:$0x3FB3]  }
0x3d: {  	_ =	shalt  }
0x3e: {  	_ =	shalt  }
0x3f: {  	_ =	shalt  }
0x40: {  	_ =	shalt  }
0x41: {  	_ =	shalt  }
0x42: {  	_ =	shalt  }
0x43: {  	_ =	shalt  }
0x44: {  	_ =	shalt  }
0x45: {  	_ =	shalt  }
0x46: {  	_ =	shalt  }
0x47: {  	_ =	shalt  }
0x48: {  	_ =	shalt  }
0x49: {  	_ =	shalt  }
0x4a: {  	_ =	shalt  }
0x4b: {  	_ =	shalt  }
0x4c: {  	_ =	shalt  }
0x4d: {  	_ =	shalt  }
0x4e: {  	_ =	shalt  }
0x4f: {  	_ =	shalt  }
0x50: {  	_ =	shalt  }
0x51: {  	_ =	shalt  }
0x52: {  	_ =	shalt  }
0x53: {  	_ =	shalt  }
0x54: {  	_ =	shalt  }
0x55: {  	_ =	shalt  }
0x56: {  	_ =	shalt  }
0x57: {  	_ =	shalt  }
0x58: {  	_ =	shalt  }
0x59: {  	_ =	shalt  }
0x5a: {  	_ =	shalt  }
0x5b: {  	_ =	shalt  }
0x5c: {  	_ =	shalt  }
0x5d: {  	_ =	shalt  }
0x5e: {  	_ =	shalt  }
0x5f: {  	_ =	shalt  }
0x60: {  	_ =	shalt  }
0x61: {  	_ =	shalt  }
0x62: {  	_ =	shalt  }
0x63: {  	_ =	shalt  }
0x64: {  	_ =	shalt  }
0x65: {  	_ =	shalt  }
0x66: {  	_ =	shalt  }
0x67: {  	_ =	shalt  }
0x68: {  	_ =	shalt  }
0x69: {  	_ =	shalt  }
0x6a: {  	_ =	shalt  }
0x6b: {  	_ =	shalt  }
0x6c: {  	_ =	shalt  }
0x6d: {  	_ =	shalt  }
0x6e: {  	_ =	shalt  }
0x6f: {  	_ =	shalt  }
0x70: {  	_ =	shalt  }
0x71: {  	_ =	shalt  }
0x72: {  	_ =	shalt  }
0x73: {  	_ =	shalt  }
0x74: {  	_ =	shalt  }
0x75: {  	_ =	shalt  }
0x76: {  	_ =	shalt  }
0x77: {  	_ =	shalt  }
0x78: {  	_ =	shalt  }
0x79: {  	_ =	shalt  }
0x7a: {  	_ =	shalt  }
0x7b: {  	_ =	shalt  }
0x7c: {  	_ =	shalt  }
0x7d: {  	_ =	shalt  }
0x7e: {  	_ =	shalt  }
0x7f: {  	_ =	shalt  }
0x80: {  	_ =	shalt  }
0x81: {  	_ =	shalt  }
0x82: {  	_ =	shalt  }
0x83: {  	_ =	shalt  }
0x84: {  	_ =	shalt  }
0x85: {  	_ =	shalt  }
0x86: {  	_ =	shalt  }
0x87: {  	_ =	shalt  }
.Lfunc_end0:
.L_simem_size_0:
called_computation.2_lowered:
.L_overlay_start_0:
0x88: {  	s2 =	sld [smem:$0x3FD9]  }
0x89: {  	s3 =	sld [smem:$0x3FFE];
	_ =	sdelay $0x1  }
0x8a: {  	s1 =	srdreg.scid  }
0x8b: {  	s0 =	sand.u32 $0x1, s1  }
0x8c: {  	s16 =	sshll.u32 s0, $0xA;
	s2 =	sadd.s32 s3, s2  }
0x8d: {  	s2 =	sadd.s32 s2, s16  }
0x8e: {  	[smem:$0x3FBF] =	sst s2  }
0x8f: {  	_ = 	snop  }
0x90: {  	(tm) =	ssettm $0x1  }
0x91: {  	s17 =	sld [smem:$0x3FFB];
	_ =	sdelay $0x3  }
0x92: {  	_ =	strace s17  }
0x93: {  	s2 =	sld [smem:$0x3FFC];
	_ =	sdelay $0x3  }
0x94: {  	_ =	strace s2  }
0x95: {  	s2 =	sld [smem:$0x3FFD];
	_ =	sdelay $0x3  }
0x96: {  	_ =	strace s2  }
0x97: {  	_ =	strace $0x8FFFFFFF  }
0x98: {  	s18 =	sld [smem:$0x3FDB];
	_ =	sdelay $0x1  }
0x99: {  	s19 =	simm.s32 $_scs_section_size  }
0x9a: {  	s4 =	simm.s32 $_size__tile_overlayer_lowered;
	s5 =	simm.s32 $_tile_overlayer_lowered  }
0x9b: {  	s22 =	simm.s32 $0x1BFF;
	s21 =	sshll.u32 s5, $0x1;
	s2 =	sadd.s32 s19, s18  }
0x9c: {  	s6 =	simm.s32 $0x0;
	s20 =	sshll.u32 s4, $0x1;
	s4 =	sadd.s32 s21, s2  }
0x9d: {  	[timem:s6], [sflag:s22] =	dma.local [hbm:s4], s20  }
0x9e: {  	_ =	swait.ge [sflag:s22], s20  }
0x9f: {  	s3 =	ssub.s32 $0x0, s20;
	[sflag:s22] =	ssyncset.done $0x0  }
0xa0: {  	[sflag:s22] =	ssyncadd.s32 s3;
	_ =	sdelay $0x1  }
0xa1: {  	s23 =	simm.s32 $0x1B8B  }
0xa2: {  	_ =	swait.ge [sflag:s23], $0x1  }
0xa3: {  	[sflag:s23] =	ssyncset.done $0x0  }
0xa4: {  	s25 =	simm.s32 $0x1B8E;
	s24 =	sld [smem:$0x3FFE];
	[sflag:s23] =	ssyncadd.s32 $0xFFFFFFFF  }
0xa5: {  	s26 =	simm.s32 $execute0_lowered;
	[smem:$0x3FD2] =	sst s25  }
0xa6: {  	s4 =	sshll.u32 s26, $0x1;
	_ =	strace $0x8000004C;
	[dreg:$0x1] =	wrdreg $0xFFFFFFFF  }
0xa7: {  	s28 =	simm.s32 $_size_execute0_lowered;
	s2 =	sadd.s32 s2, s4;
	[dreg:$0x0] =	wrdreg $0x0  }
0xa8: {  	s4 =	sshll.u32 s28, $0x1;
	[dreg:$0x2] =	wrdreg s2  }
0xa9: {  	[dreg:$0x3] =	wrdreg s4  }
0xaa: {  	[dreg:$0x4] =	wrdreg $0xC0  }
0xab: {  	_ =	task [dreg:s6], $0x5FFFF  }
0xac: {  	[dreg:$0x1] =	wrdreg $0xFFFFFFFF  }
0xad: {  	[dreg:$0x0] =	wrdreg $0x60  }
0xae: {  	[dreg:$0x2] =	wrdreg s24  }
0xaf: {  	[dreg:$0x3] =	wrdreg $0x60000  }
0xb0: {  	[dreg:$0x4] =	wrdreg $0x9  }
0xb1: {  	_ =	task.clear_ibuf [dreg:s6], $0x5FFFF;
	_ =	strace $0x9000004C  }
0xb2: {  	s29 =	simm.s32 $0x9;
	_ =	strace $0x8000004E  }
0xb3: {  	_ =	swait.ge [sflag:s29], $0x1  }
0xb4: {  	[sflag:s29] =	ssyncadd.s32 $0xFFFFFFFF  }
0xb5: {  	_ =	strace $0x9000004E  }
0xb6: {  	_ =	sfence  }
0xb7: {  	s30 =	sld [smem:$0x0];
	_ =	sdelay $0x2  }
0xb8: {  	s31 =	sshll.u32 s1, $0xD;
	s1 =	sshrl.u32 s1, $0x2  }
0xb9: {  	s3 =	sand.u32 $0x4000, s31;
	s1 =	sadd.s32 s1, s30  }
0xba: {  	s0 =	sor.u32 s3, s0;
	s1 =	sshll.u32 s1, $0x11  }
0xbb: {  	s0 =	sor.u32 s1, s0  }
0xbc: {  	s0 =	sadd.s32 $0x8F2B, s0  }
0xbd: {  	[sflag:s0] =	ssyncadd.remote.s32 $0x1  }
0xbe: {  	_ =	sfence.sel $0xFFFF  }
0xbf: {  	[dreg:$0x0] =	wrdreg $0xFFFFFFFF;
	(pc) =	sbr.abs _section_cstart, $3  }
0xc0: {  	[dreg:$0x1] =	wrdreg $0xFFFFFFFF  }
0xc1: {  	_ =	task.clear_ibuf [dreg:s6], $0x2FFFF;
	_ =	strace $0x9FFFFFFF  }
0xc2: {  	(tm) =	ssettm $0x7FFFFFFF  }
0xc3: {  	_ =	shalt  }
tec
execute0_lowered:
.L_overlay_start_1:
0x0: {  	(tag) =	ssettag $0x1  }
0x1: {  	s7 =	rddreg [dreg:$0x0]  }
0x2: {  	s2 =	rddreg [dreg:$0x1]  }
0x3: {  	s0 =	rddreg [dreg:$0x2];
	s3 =	simm.s32 $0x0;
	s1 =	stileid.u32  }
0x4: {  	s4 =	srdreg.scid;
	s15 =	simm.s32 $0x50;
	s16 =	simm.s32 $0x1000  }
0x5: {  	s17 =	simm.s32 $0x3800;
	s18 =	simm.s32 $0x1;
	s19 =	simm.s32 $0x3  }
0x6: {  	s20 =	simm.s32 $0x2;
	s21 =	simm.s32 $0x4;
	s22 =	simm.s32 $0xF80  }
0x7: {  	[smem:$0x7FF] =	sst s3;
	s8 =	smul.u32 $0x14000, s1;
	s9 =	sand.u32 $0x1, s4  }
0x8: {  	s4 =	sadd.s32 $0x3DE00, s7;
	s5 =	sadd.s32 $0x2200, s7;
	s6 =	sadd.s32 $0xC000, s7  }
0x9: {  	s12 =	smul.u32 $0x50000, s1;
	s31 =	sshll.u32 s1, $0x6;
	_ =	strace $0x8000004D  }
0xa: {  	s10 =	smul.u32 $0x140000, s9;
	s25 =	ssub.s32 $0x2, s9;
	s28 =	sshll.u32 s9, $0x4  }
0xb: {  	s9 =	sor.u32 $0x1C05, s31;
	s11 =	sshrl.u32 s8, $0x3;
	s26 =	sshrl.u32 s25, $0x1  }
0xc: {  	s29 =	sor.u32 s1, s28;
	s30 =	sshrl.u32 s12, $0x2;
	s8 =	sadd.s32 s8, s10  }
0xd: {  	s11 =	sadd.s32 s11, s7;
	s12 =	sadd.s32 s30, s2;
	s8 =	sshrl.u32 s8, $0x3  }
0xe: {  	s14 =	ssub.s32 s25, s26;
	s12 =	sshrl.u32 s12, $0x3;
	s13 =	sadd.s32 s8, s7  }
0xf: {  	s7 =	smul.u32 $0x2710, s29;
	s8 =	sadd.s32 $0x15E00, s11;
	s11 =	smax.u32 s14, $0x1  }
0x10: {  	s14 =	simm.s32 $0x800;
	s10 =	sadd.s32 $0x65E00, s13;
	s13 =	simm.s32 $0x5  }
.LBB2_1:
0x11: {  	[spmem:s12], [sflag:s9] =	dma.local [hbm:s8], $0x2800  }
0x12: {  	_ =	swait.ge [sflag:s13], $0x2800  }
0x13: {  	[sflag:s13] =	ssyncset.done $0x0  }
0x14: {  	[sflag:s13] =	ssyncadd.s32 $0xFFFFD800  }
0x15: {  	s23 =	simm.s32 $0x0;
	[bflag:$0x0] =	sbarrier.arrive $0xFFFF  }
.LBB2_2:
0x16: {  	s24 =	smul.u32 $0x7D0, s23;
	_ =	sdelay $0x1  }
0x17: {  	s24 =	sadd.s32 s7, s24  }
0x18: {  	s24 =	sshrl.u32 s24, $0x3  }
0x19: {  	s26 =	simm.s32 $0x0;
	s25 =	sadd.s32 s5, s24  }
0x1a: {  	[tilespmem:s26], [sflag:$0x5] =	stream.linear.gather [hbm4b:s25+s26], $0x7D0, $0x38;
	[tilespmem:$0x1A000] =	vst v63  }
0x1b: {  	_ =	swait.ge [sflag:s13], $0x7D0  }
0x1c: {  	[sflag:s13] =	ssyncset.done $0x0  }
0x1d: {  	s24 =	sadd.s32 s6, s24;
	[sflag:s13] =	ssyncadd.s32 $0xFFFFF830  }
0x1e: {  	[tilespmem:s14], [sflag:$0x5] =	stream.linear.gather [hbm4b:s24+s26], $0x7D0, $0x38;
	[tilespmem:$0x1A000] =	vst v63  }
0x1f: {  	_ =	swait.ge [sflag:s13], $0x7D0  }
0x20: {  	[sflag:s13] =	ssyncset.done $0x0  }
0x21: {  	[sflag:s13] =	ssyncadd.s32 $0xFFFFF830  }
0x22: {  	[tilespmem:s16], [sflag:$0x1] =	stream.indirect.gather [hbm4b:s4+s15], $0x80, s26, s15, $0xb8;
	[tilespmem:$0x1A000] =	vst v63  }
0x23: {  	_ = 	snop  }
0x24: {  	[tilespmem:s17], [sflag:$0x2] =	stream.indirect.gather [hbm4b:s4+s15], $0x80, s15, s15, $0xb8;
	[tilespmem:$0x1A000] =	vst v63  }
0x25: {  	_ =	swait.ge [sflag:s18], $0x2800  }
0x26: {  	[sflag:s18] =	ssyncset.done $0x0  }
0x27: {  	s29 =	simm.s32 $0x800;
	[sflag:s18] =	ssyncadd.s32 $0xFFFFD800  }
0x28: {  	[spmem:s2] =	stream.indirect.scatter.add.f32 [tilespmem:s16], [sflag:$0x3], $0x80, s29, s15, $0xb8;
	[tilespmem:$0x1A000] =	vst v63  }
0x29: {  	_ =	swait.ge [sflag:s19], $0x2800  }
0x2a: {  	[sflag:s19] =	ssyncset.done $0x0  }
0x2b: {  	s30 =	simm.s32 $0xA0;
	[sflag:s19] =	ssyncadd.s32 $0xFFFFD800  }
0x2c: {  	[tilespmem:s16], [sflag:$0x1] =	stream.indirect.gather [hbm4b:s4+s15], $0x80, s30, s15, $0xb8;
	[tilespmem:$0x1A000] =	vst v63  }
0x2d: {  	_ =	swait.ge [sflag:s20], $0x2800  }
0x2e: {  	[sflag:s20] =	ssyncset.done $0x0  }
0x2f: {  	s31 =	simm.s32 $0x850;
	[sflag:s20] =	ssyncadd.s32 $0xFFFFD800  }
0x30: {  	[spmem:s2] =	stream.indirect.scatter.add.f32 [tilespmem:s17], [sflag:$0x4], $0x80, s31, s15, $0xb8;
	[tilespmem:$0x1A000] =	vst v63  }
0x31: {  	_ =	swait.ge [sflag:s21], $0x2800  }
0x32: {  	[sflag:s21] =	ssyncset.done $0x0  }
0x33: {  	s25 =	simm.s32 $0xF0;
	s24 =	simm.s32 $0x280;
	[sflag:s21] =	ssyncadd.s32 $0xFFFFD800  }
.LBB2_3:
0x34: {  	[tilespmem:s17], [sflag:$0x2] =	stream.indirect.gather [hbm4b:s4+s15], $0x80, s25, s15, $0xb8;
	[tilespmem:$0x1A000] =	vst v63  }
0x35: {  	s25 =	smov.u32 s24;
	s24 =	sadd.s32 $0x280, s24;
	_ =	swait.ge [sflag:s18], $0x2800  }
0x36: {  	s25 =	sshra.s32 s25, $0x2;
	p0 =	sne.s32 s24, $0x1B80;
	[sflag:s18] =	ssyncset.done $0x0  }
0x37: {  	s26 =	sadd.s32 $0x800, s25;
	[sflag:s18] =	ssyncadd.s32 $0xFFFFD800  }
0x38: {  	[spmem:s2] =	stream.indirect.scatter.add.f32 [tilespmem:s16], [sflag:$0x3], $0x80, s26, s15, $0xb8;
	[tilespmem:$0x1A000] =	vst v63  }
0x39: {  	_ =	swait.ge [sflag:s19], $0x2800  }
0x3a: {  	[sflag:s19] =	ssyncset.done $0x0  }
0x3b: {  	s26 =	sadd.s32 $0xA0, s25;
	[sflag:s19] =	ssyncadd.s32 $0xFFFFD800  }
0x3c: {  	[tilespmem:s16], [sflag:$0x1] =	stream.indirect.gather [hbm4b:s4+s15], $0x80, s26, s15, $0xb8;
	[tilespmem:$0x1A000] =	vst v63  }
0x3d: {  	_ =	swait.ge [sflag:s20], $0x2800  }
0x3e: {  	[sflag:s20] =	ssyncset.done $0x0  }
.Ltmp0:
0x3f: {  	s26 =	sadd.s32 $0x850, s25;
	[sflag:s20] =	ssyncadd.s32 $0xFFFFD800;
	(pc) =	sbr.rel @p0 .LBB2_3-.Ltmp0, $4  }
0x40: {  	[spmem:s2] =	stream.indirect.scatter.add.f32 [tilespmem:s17], [sflag:$0x4], $0x80, s26, s15, $0xb8;
	[tilespmem:$0x1A000] =	vst v63  }
0x41: {  	_ =	swait.ge [sflag:s21], $0x2800  }
0x42: {  	[sflag:s21] =	ssyncset.done $0x0  }
0x43: {  	s25 =	sadd.s32 $0xF0, s25;
	[sflag:s21] =	ssyncadd.s32 $0xFFFFD800  }
0x44: {  	[tilespmem:s17], [sflag:$0x2] =	stream.indirect.gather [hbm4b:s4+s15], $0x80, s25, s15, $0xb8;
	[tilespmem:$0x1A000] =	vst v63  }
0x45: {  	_ =	swait.ge [sflag:s18], $0x2800  }
0x46: {  	s24 =	sshra.s32 s24, $0x2;
	[sflag:s18] =	ssyncset.done $0x0  }
0x47: {  	s30 =	sadd.s32 $0x800, s24;
	[sflag:s18] =	ssyncadd.s32 $0xFFFFD800  }
0x48: {  	[spmem:s2] =	stream.indirect.scatter.add.f32 [tilespmem:s16], [sflag:$0x3], $0x80, s30, s15, $0xb8;
	[tilespmem:$0x1A000] =	vst v63  }
0x49: {  	_ =	swait.ge [sflag:s19], $0x2800  }
0x4a: {  	[sflag:s19] =	ssyncset.done $0x0  }
0x4b: {  	s31 =	sadd.s32 $0xA0, s24;
	[sflag:s19] =	ssyncadd.s32 $0xFFFFD800  }
0x4c: {  	[tilespmem:s16], [sflag:$0x1] =	stream.indirect.gather [hbm4b:s4+s15], $0x80, s31, s15, $0xb8;
	[tilespmem:$0x1A000] =	vst v63  }
0x4d: {  	_ =	swait.ge [sflag:s20], $0x2800  }
0x4e: {  	[sflag:s20] =	ssyncset.done $0x0  }
0x4f: {  	s24 =	sadd.s32 $0x850, s24;
	[sflag:s20] =	ssyncadd.s32 $0xFFFFD800  }
0x50: {  	[spmem:s2] =	stream.indirect.scatter.add.f32 [tilespmem:s17], [sflag:$0x4], $0x80, s24, s15, $0xb8;
	[tilespmem:$0x1A000] =	vst v63  }
0x51: {  	_ =	swait.ge [sflag:s18], $0x2800  }
0x52: {  	[sflag:s18] =	ssyncset.done $0x0  }
0x53: {  	s23 =	sadd.s32 $0x1, s23;
	[sflag:s18] =	ssyncadd.s32 $0xFFFFD800  }
0x54: {  	[spmem:s2] =	stream.indirect.scatter.add.f32 [tilespmem:s16], [sflag:$0x3], $0x80, s22, s15, $0xb8;
	[tilespmem:$0x1A000] =	vst v63  }
0x55: {  	p0 =	sne.s32 s23, $0x5;
	_ =	swait.ge [sflag:s19], $0x2800  }
.Ltmp1:
0x56: {  	[sflag:s19] =	ssyncset.done $0x0;
	(pc) =	sbr.rel @p0 .LBB2_2-.Ltmp1, $4  }
0x57: {  	[sflag:s19] =	ssyncadd.s32 $0xFFFFD800  }
0x58: {  	_ =	swait.ge [sflag:s21], $0x2800  }
0x59: {  	[sflag:s21] =	ssyncset.done $0x0  }
0x5a: {  	[sflag:s21] =	ssyncadd.s32 $0xFFFFD800  }
0x5b: {  	s3 =	sadd.s32 $0x1, s3  }
0x5c: {  	p0 =	sne.s32 s3, s11  }
.Ltmp2:
0x5d: {  	[bflag:$0x0] =	sbarrier.arrive $0xFFFF;
	(pc) =	sbr.rel @p0 .LBB2_1-.Ltmp2, $4  }
0x5e: {  	[hbm:s10], [sflag:s9] =	dma.local [spmem:s12], $0x2800  }
0x5f: {  	_ =	swait.ge [sflag:s13], $0x2800  }
0x60: {  	[sflag:s13] =	ssyncset.done $0x0  }
0x61: {  	[sflag:s13] =	ssyncadd.s32 $0xFFFFD800  }
0x62: {  	_ =	sfence.sel $0x180000  }
0x63: {  	[bflag:$0x0] =	sbarrier.arrive $0xFFFF  }
0x64: {  	p0 =	sne.s32 s1, $0x0;
	_ =	strace $0x9000004D  }
0x65: {  	s0 =	sadd.s32 @!p0 $0x100000, s0;
	[bflag:$0x2] =	sbarrier.arrive $0xFFFF  }
0x66: {  	[sflag:s0] =	ssyncadd.tile.s32 @!p0 $0x1;
	_ =	shalt  }
.Lfunc_end2:
_tile_overlayer_lowered:
.L_overlay_start_2:
0x67: {  	(tag) =	ssettag $0x2  }
0x68: {  	s0 =	rddreg [dreg:$0x0];
	s2 =	stileid.u32  }
0x69: {  	s1 =	rddreg [dreg:$0x1];
	p0 =	sne.s32 s2, $0x0  }
0x6a: {  	s3 =	rddreg [dreg:$0x2];
	[bflag:$0x3] =	sbarrier.arrive $0xFFFF;
	s2 =	simm.s32 @!p0 $0x1C05  }
0x6b: {  	[timem:s3], [sflag:s2] =	dma.local @!p0 [hbm:s0], s1  }
0x6c: {  	s0 =	simm.s32 @!p0 $0x5  }
0x6d: {  	_ =	swait.ge @!p0 [sflag:s0], s1  }
0x6e: {  	s1 =	ssub.s32 @!p0 $0x0, s1;
	[sflag:s0] =	ssyncset.done @!p0 $0x0  }
0x6f: {  	[sflag:s0] =	ssyncadd.s32 @!p0 s1  }
0x70: {  	[bflag:$0x3] =	sbarrier.arrive $0xFFFF  }
0x71: {  	_ =	shalt  }

// kernel: kernel.8.cloned.1.call-start
scs
__scs_entry_jumppad:
0x0: {  	(pc) =	sbr.rel $0x88, $3  }
0x1: {  	(tag) =	ssettag $0x0;
	lr =	simm.s32 $0x1  }
0x2: {  	[smem:$0x3F98] =	sst lr;
	_ =	strace $0xD0000000  }
0x3: {  	_ = 	snop  }
0x4: {  	_ = 	snop  }
0x5: {  	_ = 	snop  }
0x6: {  	_ = 	snop  }
0x7: {  	_ = 	snop  }
__scs_overlays_trampoline_lowered:
0x8: {  	[smem:$0x3FA7] =	sst s0  }
0x9: {  	[smem:$0x3FA8] =	sst s1  }
0xa: {  	[smem:$0x3FA9] =	sst s2  }
0xb: {  	[smem:$0x3FAA] =	sst s3  }
0xc: {  	[smem:$0x3FAB] =	sst s4  }
0xd: {  	[smem:$0x3FAC] =	sst s5  }
0xe: {  	[smem:$0x3FAD] =	sst s6  }
0xf: {  	[smem:$0x3FAE] =	sst s7  }
0x10: {  	[smem:$0x3FAF] =	sst s8  }
0x11: {  	[smem:$0x3FB0] =	sst s9;
	s0 =	simm.s32 @!p0 $0x0  }
0x12: {  	s1 =	sld [smem:$0x3F96];
	s0 =	simm.s32 @p0 $0x1  }
0x13: {  	[smem:$0x3FB1] =	sst s0;
	s0 =	simm.s32 @!p1 $0x0  }
0x14: {  	s2 =	sld [smem:$0x3F95];
	s0 =	simm.s32 @p1 $0x1  }
0x15: {  	[smem:$0x3FB2] =	sst s0;
	s0 =	simm.s32 @!p2 $0x0  }
0x16: {  	s3 =	sld [smem:$0x3FDB];
	s0 =	simm.s32 @p2 $0x1  }
0x17: {  	s4 =	simm.s32 $0x1BF5;
	[smem:$0x3FB4] =	sst s0  }
0x18: {  	s0 =	sld [smem:$0x3F97];
	_ =	swait.ge [sflag:s4], $0x0  }
0x19: {  	s7 =	sld [smem:$0x3F98]  }
0x1a: {  	s8 =	sadd.s32 $0xFFFFE003, lr  }
0x1b: {  	s9 =	sadd.s32 $0xFFFFFEF7, lr;
	s5 =	simm.s32 $0xFFFFFFFF;
	p2 =	slt.u32 s8, $0xFFFFF086  }
0x1c: {  	p1 =	slt.u32 s9, $0xF7A;
	s5 =	simm.s32 @!p2 $0x0  }
0x1d: {  	s5 =	simm.s32 @p1 $0x1;
	p0 =	seq.s32 s7, s2  }
0x1e: {  	s7 =	smul.u32 @!p0 $0xF7A, s2;
	p2 =	seq.s32 @!p0 s5, $0x0  }
0x1f: {  	s9 =	smul.u32 $0xF7A, s1;
	s8 =	simm.s32 @!p0 $0x1BF5;
	p2 =	por !p2, p0  }
0x20: {  	[sflag:s8] =	ssyncset.s32 @!p0 $0xFFFFF086;
	s6 =	sadd.s32 @!p0 s3, s7;
	s7 =	simm.s32 @!p0 $0x108  }
0x21: {  	s3 =	sadd.s32 s3, s9;
	s6 =	sadd.s32 @!p0 $0x88, s6;
	s7 =	simm.s32 @p2 $0x1082  }
0x22: {  	[simem:s7], [sflag:s8] =	dma.local @!p0 [hbm:s6], $0xF7A  }
0x23: {  	s9 =	sor.u32 $0xD0000000, s2;
	s6 =	simm.s32 $0x108;
	_ =	swait.ge @!p0 [sflag:s8], $0x0  }
0x24: {  	s3 =	sadd.s32 $0x88, s3;
	s6 =	simm.s32 @!p1 $0x1082;
	[sflag:s4] =	ssyncset.s32 $0xFFFFF086  }
0x25: {  	[simem:s6], [sflag:s4] =	dma.local [hbm:s3], $0xF7A  }
0x26: {  	[smem:$0x3F98] =	sst s1;
	(tag) =	ssettag s2;
	_ =	strace s9  }
0x27: {  	s1 =	sld [smem:$0x3FA8]  }
0x28: {  	s2 =	sld [smem:$0x3FA9]  }
0x29: {  	s4 =	sld [smem:$0x3FAB]  }
0x2a: {  	p0 =	seq.s32 s5, $0x0;
	s5 =	sld [smem:$0x3FAC]  }
0x2b: {  	s6 =	sld [smem:$0x3FAD]  }
0x2c: {  	s7 =	sld [smem:$0x3FAE]  }
0x2d: {  	s3 =	simm.s32 $0x108;
	s8 =	sld [smem:$0x3FAF]  }
0x2e: {  	s3 =	simm.s32 @!p0 $0x1082;
	s9 =	sld [smem:$0x3FB0]  }
0x2f: {  	lr =	sadd.s32 s0, s3;
	s0 =	sld [smem:$0x3FA7]  }
0x30: {  	s3 =	sld [smem:$0x3FAA]  }
0x31: {  	[smem:$0x3FB3] =	sst s10  }
0x32: {  	s10 =	sld [smem:$0x3FB1];
	_ =	sdelay $0x3  }
0x33: {  	p0 =	seq.s32 s10, $0x1;
	s10 =	sld [smem:$0x3FB3];
	_ =	sdelay $0x3  }
0x34: {  	[smem:$0x3FB3] =	sst s10  }
0x35: {  	s10 =	sld [smem:$0x3FB2];
	_ =	sdelay $0x3  }
0x36: {  	p1 =	seq.s32 s10, $0x1;
	s10 =	sld [smem:$0x3FB3];
	_ =	sdelay $0x3  }
0x37: {  	[smem:$0x3FB3] =	sst s10  }
0x38: {  	s10 =	sld [smem:$0x3FB4]  }
0x39: {  	_ = 	snop;
	(pc) =	sbr.ind lr, $3  }
0x3a: {  	_ = 	snop  }
0x3b: {  	_ = 	snop  }
0x3c: {  	p2 =	seq.s32 s10, $0x1;
	s10 =	sld [smem:$0x3FB3]  }
0x3d: {  	_ =	shalt  }
0x3e: {  	_ =	shalt  }
0x3f: {  	_ =	shalt  }
0x40: {  	_ =	shalt  }
0x41: {  	_ =	shalt  }
0x42: {  	_ =	shalt  }
0x43: {  	_ =	shalt  }
0x44: {  	_ =	shalt  }
0x45: {  	_ =	shalt  }
0x46: {  	_ =	shalt  }
0x47: {  	_ =	shalt  }
0x48: {  	_ =	shalt  }
0x49: {  	_ =	shalt  }
0x4a: {  	_ =	shalt  }
0x4b: {  	_ =	shalt  }
0x4c: {  	_ =	shalt  }
0x4d: {  	_ =	shalt  }
0x4e: {  	_ =	shalt  }
0x4f: {  	_ =	shalt  }
0x50: {  	_ =	shalt  }
0x51: {  	_ =	shalt  }
0x52: {  	_ =	shalt  }
0x53: {  	_ =	shalt  }
0x54: {  	_ =	shalt  }
0x55: {  	_ =	shalt  }
0x56: {  	_ =	shalt  }
0x57: {  	_ =	shalt  }
0x58: {  	_ =	shalt  }
0x59: {  	_ =	shalt  }
0x5a: {  	_ =	shalt  }
0x5b: {  	_ =	shalt  }
0x5c: {  	_ =	shalt  }
0x5d: {  	_ =	shalt  }
0x5e: {  	_ =	shalt  }
0x5f: {  	_ =	shalt  }
0x60: {  	_ =	shalt  }
0x61: {  	_ =	shalt  }
0x62: {  	_ =	shalt  }
0x63: {  	_ =	shalt  }
0x64: {  	_ =	shalt  }
0x65: {  	_ =	shalt  }
0x66: {  	_ =	shalt  }
0x67: {  	_ =	shalt  }
0x68: {  	_ =	shalt  }
0x69: {  	_ =	shalt  }
0x6a: {  	_ =	shalt  }
0x6b: {  	_ =	shalt  }
0x6c: {  	_ =	shalt  }
0x6d: {  	_ =	shalt  }
0x6e: {  	_ =	shalt  }
0x6f: {  	_ =	shalt  }
0x70: {  	_ =	shalt  }
0x71: {  	_ =	shalt  }
0x72: {  	_ =	shalt  }
0x73: {  	_ =	shalt  }
0x74: {  	_ =	shalt  }
0x75: {  	_ =	shalt  }
0x76: {  	_ =	shalt  }
0x77: {  	_ =	shalt  }
0x78: {  	_ =	shalt  }
0x79: {  	_ =	shalt  }
0x7a: {  	_ =	shalt  }
0x7b: {  	_ =	shalt  }
0x7c: {  	_ =	shalt  }
0x7d: {  	_ =	shalt  }
0x7e: {  	_ =	shalt  }
0x7f: {  	_ =	shalt  }
0x80: {  	_ =	shalt  }
0x81: {  	_ =	shalt  }
0x82: {  	_ =	shalt  }
0x83: {  	_ =	shalt  }
0x84: {  	_ =	shalt  }
0x85: {  	_ =	shalt  }
0x86: {  	_ =	shalt  }
0x87: {  	_ =	shalt  }
.Lfunc_end0:
.L_simem_size_0:
called_computation_lowered:
.L_overlay_start_0:
0x88: {  	s2 =	sld [smem:$0x3FD9]  }
0x89: {  	s3 =	sld [smem:$0x3FFE];
	_ =	sdelay $0x1  }
0x8a: {  	s1 =	srdreg.scid  }
0x8b: {  	s0 =	sand.u32 $0x1, s1  }
0x8c: {  	s16 =	sshll.u32 s0, $0xA;
	s2 =	sadd.s32 s3, s2  }
0x8d: {  	s2 =	sadd.s32 s2, s16  }
0x8e: {  	[smem:$0x3FBF] =	sst s2  }
0x8f: {  	_ = 	snop  }
0x90: {  	(tm) =	ssettm $0x1  }
0x91: {  	s17 =	sld [smem:$0x3FFB];
	_ =	sdelay $0x3  }
0x92: {  	_ =	strace s17  }
0x93: {  	s2 =	sld [smem:$0x3FFC];
	_ =	sdelay $0x3  }
0x94: {  	_ =	strace s2  }
0x95: {  	s2 =	sld [smem:$0x3FFD];
	_ =	sdelay $0x3  }
0x96: {  	_ =	strace s2  }
0x97: {  	_ =	strace $0x8FFFFFFF  }
0x98: {  	s18 =	sld [smem:$0x3FDB];
	_ =	sdelay $0x1  }
0x99: {  	s19 =	simm.s32 $_scs_section_size  }
0x9a: {  	s4 =	simm.s32 $_size__tile_overlayer_lowered;
	s5 =	simm.s32 $_tile_overlayer_lowered  }
0x9b: {  	s22 =	simm.s32 $0x1BFF;
	s21 =	sshll.u32 s5, $0x1;
	s2 =	sadd.s32 s19, s18  }
0x9c: {  	s6 =	simm.s32 $0x0;
	s20 =	sshll.u32 s4, $0x1;
	s4 =	sadd.s32 s21, s2  }
0x9d: {  	[timem:s6], [sflag:s22] =	dma.local [hbm:s4], s20  }
0x9e: {  	_ =	swait.ge [sflag:s22], s20  }
0x9f: {  	s3 =	ssub.s32 $0x0, s20;
	[sflag:s22] =	ssyncset.done $0x0  }
0xa0: {  	[sflag:s22] =	ssyncadd.s32 s3;
	_ =	sdelay $0x1  }
0xa1: {  	s23 =	simm.s32 $0x1B8B  }
0xa2: {  	_ =	swait.ge [sflag:s23], $0x1  }
0xa3: {  	[sflag:s23] =	ssyncset.done $0x0  }
0xa4: {  	s25 =	simm.s32 $0x1B8E;
	s24 =	sld [smem:$0x3FFE];
	[sflag:s23] =	ssyncadd.s32 $0xFFFFFFFF  }
0xa5: {  	s26 =	simm.s32 $execute0_lowered;
	[smem:$0x3FD2] =	sst s25  }
0xa6: {  	s4 =	sshll.u32 s26, $0x1;
	_ =	strace $0x80000046;
	[dreg:$0x1] =	wrdreg $0xFFFFFFFF  }
0xa7: {  	s28 =	simm.s32 $_size_execute0_lowered;
	s2 =	sadd.s32 s2, s4;
	[dreg:$0x0] =	wrdreg $0x0  }
0xa8: {  	s4 =	sshll.u32 s28, $0x1;
	[dreg:$0x2] =	wrdreg s2  }
0xa9: {  	[dreg:$0x3] =	wrdreg s4  }
0xaa: {  	[dreg:$0x4] =	wrdreg $0xC0  }
0xab: {  	_ =	task [dreg:s6], $0x5FFFF  }
0xac: {  	[dreg:$0x1] =	wrdreg $0xFFFFFFFF  }
0xad: {  	[dreg:$0x0] =	wrdreg $0x60  }
0xae: {  	[dreg:$0x2] =	wrdreg s24  }
0xaf: {  	[dreg:$0x3] =	wrdreg $0x44000  }
0xb0: {  	[dreg:$0x4] =	wrdreg $0x9  }
0xb1: {  	_ =	task.clear_ibuf [dreg:s6], $0x5FFFF;
	_ =	strace $0x90000046  }
0xb2: {  	s29 =	simm.s32 $0x9;
	_ =	strace $0x80000048  }
0xb3: {  	_ =	swait.ge [sflag:s29], $0x1  }
0xb4: {  	[sflag:s29] =	ssyncadd.s32 $0xFFFFFFFF  }
0xb5: {  	_ =	strace $0x90000048  }
0xb6: {  	_ =	sfence  }
0xb7: {  	s30 =	sld [smem:$0x0];
	_ =	sdelay $0x2  }
0xb8: {  	s31 =	sshll.u32 s1, $0xD;
	s1 =	sshrl.u32 s1, $0x2  }
0xb9: {  	s3 =	sand.u32 $0x4000, s31;
	s1 =	sadd.s32 s1, s30  }
0xba: {  	s0 =	sor.u32 s3, s0;
	s1 =	sshll.u32 s1, $0x11  }
0xbb: {  	s0 =	sor.u32 s1, s0  }
0xbc: {  	s0 =	sadd.s32 $0x8F2B, s0  }
0xbd: {  	[sflag:s0] =	ssyncadd.remote.s32 $0x1  }
0xbe: {  	_ =	sfence.sel $0xFFFF  }
0xbf: {  	[dreg:$0x0] =	wrdreg $0xFFFFFFFF;
	(pc) =	sbr.abs _section_cstart, $3  }
0xc0: {  	[dreg:$0x1] =	wrdreg $0xFFFFFFFF  }
0xc1: {  	_ =	task.clear_ibuf [dreg:s6], $0x2FFFF;
	_ =	strace $0x9FFFFFFF  }
0xc2: {  	(tm) =	ssettm $0x7FFFFFFF  }
0xc3: {  	_ =	shalt  }
tec
execute0_lowered:
.L_overlay_start_1:
0x0: {  	(tag) =	ssettag $0x1  }
0x1: {  	s5 =	rddreg [dreg:$0x0]  }
0x2: {  	s2 =	rddreg [dreg:$0x1];
	s0 =	stileid.u32  }
0x3: {  	s4 =	srdreg.scid;
	s1 =	rddreg [dreg:$0x2]  }
0x4: {  	s3 =	simm.s32 $0x0;
	s15 =	simm.s32 $0x100;
	s16 =	simm.s32 $0x180  }
0x5: {  	s17 =	simm.s32 $0x200;
	s18 =	simm.s32 $0x280;
	s19 =	simm.s32 $0x300  }
0x6: {  	s20 =	simm.s32 $0x380;
	s6 =	smul.u32 $0x14000, s0;
	s7 =	sand.u32 $0x1, s4  }
0x7: {  	[smem:$0x7FF] =	sst s3;
	s10 =	sadd.s32 $0xC000, s5;
	s11 =	smul.u32 $0x50000, s0  }
0x8: {  	s4 =	sadd.s32 $0x3DE00, s5;
	s26 =	smul.u32 $0x2710, s0;
	s28 =	sshll.u32 s0, $0x6  }
0x9: {  	s8 =	smul.u32 $0x140000, s7;
	_ =	strace $0x80000047;
	s22 =	sshll.u32 s7, $0x4  }
0xa: {  	s23 =	ssub.s32 $0x2, s7;
	s7 =	smul.u32 $0x27100, s7;
	s21 =	sshrl.u32 s6, $0x3  }
0xb: {  	s25 =	sshrl.u32 s23, $0x1;
	s11 =	sshrl.u32 s11, $0x2;
	s9 =	sadd.s32 s21, s5  }
0xc: {  	s6 =	sadd.s32 s6, s8;
	s8 =	sor.u32 s0, s22;
	s13 =	ssub.s32 s23, s25  }
0xd: {  	s11 =	sadd.s32 s11, s2;
	s30 =	sadd.s32 s26, s7;
	s21 =	simm.s32 $0x1  }
0xe: {  	s22 =	simm.s32 $0x10;
	s23 =	simm.s32 $0x0;
	s6 =	sshrl.u32 s6, $0x3  }
0xf: {  	s24 =	smul.u32 $0x2710, s8;
	s31 =	sshrl.u32 s30, $0x3;
	s11 =	sshrl.u32 s11, $0x3  }
0x10: {  	s12 =	sadd.s32 s6, s5;
	s5 =	sadd.s32 $0x15E00, s9;
	s6 =	sor.u32 $0x1C02, s28  }
0x11: {  	s9 =	smax.u32 s13, $0x1;
	s13 =	simm.s32 $0x400;
	s14 =	sshrl.u32 s24, $0x3  }
0x12: {  	s8 =	sadd.s32 $0x3E600, s12;
	s12 =	simm.s32 $0x2;
	s29 =	sadd.s32 s10, s14  }
0x13: {  	s10 =	sadd.s32 s31, s10;
	s14 =	simm.s32 $0x80;
	s7 =	sadd.s32 $0x480, s29  }
.LBB2_1:
0x14: {  	[spmem:s11], [sflag:s6] =	dma.local [hbm:s5], $0x2800  }
0x15: {  	_ =	swait.ge [sflag:s12], $0x2800  }
0x16: {  	[sflag:s12] =	ssyncset.done $0x0  }
0x17: {  	[sflag:s12] =	ssyncadd.s32 $0xFFFFD800  }
0x18: {  	[tilespmem:s13], [sflag:$0x2] =	stream.linear.gather [hbm4b:s4+s3], $0x4000, $0x38;
	[tilespmem:$0x18400] =	vst v63  }
0x19: {  	_ =	swait.ge [sflag:s12], $0x4000  }
0x1a: {  	[sflag:s12] =	ssyncset.done $0x0  }
0x1b: {  	[sflag:s12] =	ssyncadd.s32 $0xFFFFC000  }
0x1c: {  	s24 =	sadd.s32 $0x0, s10;
	[bflag:$0x0] =	sbarrier.arrive $0xFFFF  }
0x1d: {  	[tilespmem:s3], [sflag:$0x2] =	stream.linear.gather [hbm4b:s24+s3], $0x400, $0x38;
	[tilespmem:$0x18400] =	vst v63  }
0x1e: {  	_ =	swait.ge [sflag:s12], $0x400  }
0x1f: {  	[sflag:s12] =	ssyncset.done $0x0  }
0x20: {  	[sflag:s12] =	ssyncadd.s32 $0xFFFFFC00  }
0x21: {  	[spmem:s2] =	stream.indirect.scatter.add.f32 [tilespmem:s13], [sflag:$0x1], $0x80, s3, s14, $0xb8;
	[tilespmem:$0x18400] =	vst v63  }
0x22: {  	_ = 	snop  }
0x23: {  	[spmem:s2] =	stream.indirect.scatter.add.f32 [tilespmem:s13], [sflag:$0x1], $0x80, s14, s14, $0xb8;
	[tilespmem:$0x18400] =	vst v63  }
0x24: {  	_ = 	snop  }
0x25: {  	[spmem:s2] =	stream.indirect.scatter.add.f32 [tilespmem:s13], [sflag:$0x1], $0x80, s15, s14, $0xb8;
	[tilespmem:$0x18400] =	vst v63  }
0x26: {  	_ = 	snop  }
0x27: {  	[spmem:s2] =	stream.indirect.scatter.add.f32 [tilespmem:s13], [sflag:$0x1], $0x80, s16, s14, $0xb8;
	[tilespmem:$0x18400] =	vst v63  }
0x28: {  	_ = 	snop  }
0x29: {  	[spmem:s2] =	stream.indirect.scatter.add.f32 [tilespmem:s13], [sflag:$0x1], $0x80, s17, s14, $0xb8;
	[tilespmem:$0x18400] =	vst v63  }
0x2a: {  	_ = 	snop  }
0x2b: {  	[spmem:s2] =	stream.indirect.scatter.add.f32 [tilespmem:s13], [sflag:$0x1], $0x80, s18, s14, $0xb8;
	[tilespmem:$0x18400] =	vst v63  }
0x2c: {  	_ = 	snop  }
0x2d: {  	[spmem:s2] =	stream.indirect.scatter.add.f32 [tilespmem:s13], [sflag:$0x1], $0x80, s19, s14, $0xb8;
	[tilespmem:$0x18400] =	vst v63  }
0x2e: {  	_ = 	snop  }
0x2f: {  	[spmem:s2] =	stream.indirect.scatter.add.f32 [tilespmem:s13], [sflag:$0x1], $0x80, s20, s14, $0xb8;
	[tilespmem:$0x18400] =	vst v63  }
0x30: {  	_ =	swait.ge [sflag:s21], $0x4000  }
0x31: {  	[sflag:s21] =	ssyncset.done $0x0  }
0x32: {  	[sflag:s21] =	ssyncadd.s32 $0xFFFFC000  }
0x33: {  	_ =	swait.ge [sflag:s21], $0x4000  }
0x34: {  	[sflag:s21] =	ssyncset.done $0x0  }
0x35: {  	[sflag:s21] =	ssyncadd.s32 $0xFFFFC000  }
0x36: {  	_ =	swait.ge [sflag:s21], $0x4000  }
0x37: {  	[sflag:s21] =	ssyncset.done $0x0  }
0x38: {  	[sflag:s21] =	ssyncadd.s32 $0xFFFFC000  }
0x39: {  	_ =	swait.ge [sflag:s21], $0x4000  }
0x3a: {  	[sflag:s21] =	ssyncset.done $0x0  }
0x3b: {  	[sflag:s21] =	ssyncadd.s32 $0xFFFFC000  }
0x3c: {  	_ =	swait.ge [sflag:s21], $0x4000  }
0x3d: {  	[sflag:s21] =	ssyncset.done $0x0  }
0x3e: {  	[sflag:s21] =	ssyncadd.s32 $0xFFFFC000  }
0x3f: {  	_ =	swait.ge [sflag:s21], $0x4000  }
0x40: {  	[sflag:s21] =	ssyncset.done $0x0  }
0x41: {  	[sflag:s21] =	ssyncadd.s32 $0xFFFFC000  }
0x42: {  	_ =	swait.ge [sflag:s21], $0x4000  }
0x43: {  	[sflag:s21] =	ssyncset.done $0x0  }
0x44: {  	[sflag:s21] =	ssyncadd.s32 $0xFFFFC000  }
0x45: {  	_ =	swait.ge [sflag:s21], $0x4000  }
0x46: {  	s26 =	simm.s32 $0x100;
	s24 =	simm.s32 $0x80;
	[sflag:s21] =	ssyncset.done $0x0  }
.LBB2_2:
0x47: {  	s28 =	sadd.s32 s24, s10  }
0x48: {  	[sflag:s21] =	ssyncadd.s32 $0xFFFFC000;
	s24 =	smov.u32 s26;
	s25 =	sadd.s32 $0x80, s26  }
0x49: {  	[tilespmem:s3], [sflag:$0x2] =	stream.linear.gather [hbm4b:s28+s3], $0x400, $0x38;
	[tilespmem:$0x18400] =	vst v63  }
0x4a: {  	p0 =	sne.s32 s26, $0x400;
	_ =	swait.ge [sflag:s12], $0x400  }
0x4b: {  	[sflag:s12] =	ssyncset.done $0x0  }
0x4c: {  	[sflag:s12] =	ssyncadd.s32 $0xFFFFFC00  }
0x4d: {  	[spmem:s2] =	stream.indirect.scatter.add.f32 [tilespmem:s13], [sflag:$0x1], $0x80, s3, s14, $0xb8;
	[tilespmem:$0x18400] =	vst v63  }
0x4e: {  	_ = 	snop  }
0x4f: {  	[spmem:s2] =	stream.indirect.scatter.add.f32 [tilespmem:s13], [sflag:$0x1], $0x80, s14, s14, $0xb8;
	[tilespmem:$0x18400] =	vst v63  }
0x50: {  	_ = 	snop  }
0x51: {  	[spmem:s2] =	stream.indirect.scatter.add.f32 [tilespmem:s13], [sflag:$0x1], $0x80, s15, s14, $0xb8;
	[tilespmem:$0x18400] =	vst v63  }
0x52: {  	_ = 	snop  }
0x53: {  	[spmem:s2] =	stream.indirect.scatter.add.f32 [tilespmem:s13], [sflag:$0x1], $0x80, s16, s14, $0xb8;
	[tilespmem:$0x18400] =	vst v63  }
0x54: {  	_ = 	snop  }
0x55: {  	[spmem:s2] =	stream.indirect.scatter.add.f32 [tilespmem:s13], [sflag:$0x1], $0x80, s17, s14, $0xb8;
	[tilespmem:$0x18400] =	vst v63  }
0x56: {  	_ = 	snop  }
0x57: {  	[spmem:s2] =	stream.indirect.scatter.add.f32 [tilespmem:s13], [sflag:$0x1], $0x80, s18, s14, $0xb8;
	[tilespmem:$0x18400] =	vst v63  }
0x58: {  	_ = 	snop  }
0x59: {  	[spmem:s2] =	stream.indirect.scatter.add.f32 [tilespmem:s13], [sflag:$0x1], $0x80, s19, s14, $0xb8;
	[tilespmem:$0x18400] =	vst v63  }
0x5a: {  	_ = 	snop  }
0x5b: {  	[spmem:s2] =	stream.indirect.scatter.add.f32 [tilespmem:s13], [sflag:$0x1], $0x80, s20, s14, $0xb8;
	[tilespmem:$0x18400] =	vst v63  }
0x5c: {  	_ =	swait.ge [sflag:s21], $0x4000  }
0x5d: {  	[sflag:s21] =	ssyncset.done $0x0  }
0x5e: {  	[sflag:s21] =	ssyncadd.s32 $0xFFFFC000  }
0x5f: {  	_ =	swait.ge [sflag:s21], $0x4000  }
0x60: {  	[sflag:s21] =	ssyncset.done $0x0  }
0x61: {  	[sflag:s21] =	ssyncadd.s32 $0xFFFFC000  }
0x62: {  	_ =	swait.ge [sflag:s21], $0x4000  }
0x63: {  	[sflag:s21] =	ssyncset.done $0x0  }
0x64: {  	[sflag:s21] =	ssyncadd.s32 $0xFFFFC000  }
0x65: {  	_ =	swait.ge [sflag:s21], $0x4000  }
0x66: {  	[sflag:s21] =	ssyncset.done $0x0  }
0x67: {  	[sflag:s21] =	ssyncadd.s32 $0xFFFFC000  }
0x68: {  	_ =	swait.ge [sflag:s21], $0x4000  }
0x69: {  	[sflag:s21] =	ssyncset.done $0x0  }
0x6a: {  	[sflag:s21] =	ssyncadd.s32 $0xFFFFC000  }
0x6b: {  	_ =	swait.ge [sflag:s21], $0x4000  }
0x6c: {  	[sflag:s21] =	ssyncset.done $0x0  }
0x6d: {  	[sflag:s21] =	ssyncadd.s32 $0xFFFFC000  }
.Ltmp0:
0x6e: {  	_ =	swait.ge [sflag:s21], $0x4000;
	(pc) =	sbr.rel @p0 .LBB2_2-.Ltmp0, $4  }
0x6f: {  	[sflag:s21] =	ssyncset.done $0x0  }
0x70: {  	[sflag:s21] =	ssyncadd.s32 $0xFFFFC000  }
0x71: {  	_ =	swait.ge [sflag:s21], $0x4000  }
0x72: {  	s26 =	smov.u32 s25;
	[sflag:s21] =	ssyncset.done $0x0  }
0x73: {  	s24 =	sadd.s32 s24, s10;
	[sflag:s21] =	ssyncadd.s32 $0xFFFFC000  }
0x74: {  	[tilespmem:s3], [sflag:$0x2] =	stream.linear.gather [hbm4b:s24+s3], $0x400, $0x38;
	[tilespmem:$0x18400] =	vst v63  }
0x75: {  	_ =	swait.ge [sflag:s12], $0x400  }
0x76: {  	[sflag:s12] =	ssyncset.done $0x0  }
0x77: {  	[sflag:s12] =	ssyncadd.s32 $0xFFFFFC00  }
0x78: {  	[spmem:s2] =	stream.indirect.scatter.add.f32 [tilespmem:s13], [sflag:$0x1], $0x80, s3, s14, $0xb8;
	[tilespmem:$0x18400] =	vst v63  }
0x79: {  	_ = 	snop  }
0x7a: {  	[spmem:s2] =	stream.indirect.scatter.add.f32 [tilespmem:s13], [sflag:$0x1], $0x80, s14, s14, $0xb8;
	[tilespmem:$0x18400] =	vst v63  }
0x7b: {  	_ = 	snop  }
0x7c: {  	[spmem:s2] =	stream.indirect.scatter.add.f32 [tilespmem:s13], [sflag:$0x1], $0x80, s15, s14, $0xb8;
	[tilespmem:$0x18400] =	vst v63  }
0x7d: {  	_ = 	snop  }
0x7e: {  	[spmem:s2] =	stream.indirect.scatter.add.f32 [tilespmem:s13], [sflag:$0x1], $0x80, s16, s14, $0xb8;
	[tilespmem:$0x18400] =	vst v63  }
0x7f: {  	_ = 	snop  }
0x80: {  	[spmem:s2] =	stream.indirect.scatter.add.f32 [tilespmem:s13], [sflag:$0x1], $0x80, s17, s14, $0xb8;
	[tilespmem:$0x18400] =	vst v63  }
0x81: {  	_ = 	snop  }
0x82: {  	[spmem:s2] =	stream.indirect.scatter.add.f32 [tilespmem:s13], [sflag:$0x1], $0x80, s18, s14, $0xb8;
	[tilespmem:$0x18400] =	vst v63  }
0x83: {  	_ = 	snop  }
0x84: {  	[spmem:s2] =	stream.indirect.scatter.add.f32 [tilespmem:s13], [sflag:$0x1], $0x80, s19, s14, $0xb8;
	[tilespmem:$0x18400] =	vst v63  }
0x85: {  	_ = 	snop  }
0x86: {  	[spmem:s2] =	stream.indirect.scatter.add.f32 [tilespmem:s13], [sflag:$0x1], $0x80, s20, s14, $0xb8;
	[tilespmem:$0x18400] =	vst v63  }
0x87: {  	_ =	swait.ge [sflag:s21], $0x4000  }
0x88: {  	[sflag:s21] =	ssyncset.done $0x0  }
0x89: {  	[sflag:s21] =	ssyncadd.s32 $0xFFFFC000  }
0x8a: {  	_ =	swait.ge [sflag:s21], $0x4000  }
0x8b: {  	[sflag:s21] =	ssyncset.done $0x0  }
0x8c: {  	[sflag:s21] =	ssyncadd.s32 $0xFFFFC000  }
0x8d: {  	_ =	swait.ge [sflag:s21], $0x4000  }
0x8e: {  	[sflag:s21] =	ssyncset.done $0x0  }
0x8f: {  	[sflag:s21] =	ssyncadd.s32 $0xFFFFC000  }
0x90: {  	_ =	swait.ge [sflag:s21], $0x4000  }
0x91: {  	[sflag:s21] =	ssyncset.done $0x0  }
0x92: {  	[sflag:s21] =	ssyncadd.s32 $0xFFFFC000  }
0x93: {  	_ =	swait.ge [sflag:s21], $0x4000  }
0x94: {  	[sflag:s21] =	ssyncset.done $0x0  }
0x95: {  	[sflag:s21] =	ssyncadd.s32 $0xFFFFC000  }
0x96: {  	_ =	swait.ge [sflag:s21], $0x4000  }
0x97: {  	[sflag:s21] =	ssyncset.done $0x0  }
0x98: {  	[sflag:s21] =	ssyncadd.s32 $0xFFFFC000  }
0x99: {  	_ =	swait.ge [sflag:s21], $0x4000  }
0x9a: {  	[sflag:s21] =	ssyncset.done $0x0  }
0x9b: {  	[sflag:s21] =	ssyncadd.s32 $0xFFFFC000  }
0x9c: {  	_ =	swait.ge [sflag:s21], $0x4000  }
0x9d: {  	[sflag:s21] =	ssyncset.done $0x0  }
0x9e: {  	[sflag:s21] =	ssyncadd.s32 $0xFFFFC000  }
0x9f: {  	[tilespmem:s3], [sflag:$0x2] =	stream.linear.gather [hbm4b:s7+s3], $0x310, $0x38;
	[tilespmem:$0x18400] =	vst v63  }
0xa0: {  	_ =	swait.ge [sflag:s12], $0x310  }
0xa1: {  	[sflag:s12] =	ssyncset.done $0x0  }
0xa2: {  	[sflag:s12] =	ssyncadd.s32 $0xFFFFFCF0  }
0xa3: {  	[spmem:s2] =	stream.indirect.scatter.add.f32 [tilespmem:s13], [sflag:$0x1], $0x80, s3, s14, $0xb8;
	[tilespmem:$0x18400] =	vst v63  }
0xa4: {  	_ = 	snop  }
0xa5: {  	[spmem:s2] =	stream.indirect.scatter.add.f32 [tilespmem:s13], [sflag:$0x1], $0x80, s14, s14, $0xb8;
	[tilespmem:$0x18400] =	vst v63  }
0xa6: {  	_ = 	snop  }
0xa7: {  	[spmem:s2] =	stream.indirect.scatter.add.f32 [tilespmem:s13], [sflag:$0x1], $0x80, s15, s14, $0xb8;
	[tilespmem:$0x18400] =	vst v63  }
0xa8: {  	_ = 	snop  }
0xa9: {  	[spmem:s2] =	stream.indirect.scatter.add.f32 [tilespmem:s13], [sflag:$0x1], $0x80, s16, s14, $0xb8;
	[tilespmem:$0x18400] =	vst v63  }
0xaa: {  	_ = 	snop  }
0xab: {  	[spmem:s2] =	stream.indirect.scatter.add.f32 [tilespmem:s13], [sflag:$0x1], $0x80, s17, s14, $0xb8;
	[tilespmem:$0x18400] =	vst v63  }
0xac: {  	_ = 	snop  }
0xad: {  	[spmem:s2] =	stream.indirect.scatter.add.f32 [tilespmem:s13], [sflag:$0x1], $0x80, s18, s14, $0xb8;
	[tilespmem:$0x18400] =	vst v63  }
0xae: {  	_ =	swait.ge [sflag:s21], $0x4000  }
0xaf: {  	[sflag:s21] =	ssyncset.done $0x0  }
0xb0: {  	[sflag:s21] =	ssyncadd.s32 $0xFFFFC000  }
0xb1: {  	_ =	swait.ge [sflag:s21], $0x4000  }
0xb2: {  	[sflag:s21] =	ssyncset.done $0x0  }
0xb3: {  	[sflag:s21] =	ssyncadd.s32 $0xFFFFC000  }
0xb4: {  	_ =	swait.ge [sflag:s21], $0x4000  }
0xb5: {  	[sflag:s21] =	ssyncset.done $0x0  }
0xb6: {  	[sflag:s21] =	ssyncadd.s32 $0xFFFFC000  }
0xb7: {  	_ =	swait.ge [sflag:s21], $0x4000  }
0xb8: {  	[sflag:s21] =	ssyncset.done $0x0  }
0xb9: {  	[sflag:s21] =	ssyncadd.s32 $0xFFFFC000  }
0xba: {  	_ =	swait.ge [sflag:s21], $0x4000  }
0xbb: {  	[sflag:s21] =	ssyncset.done $0x0  }
0xbc: {  	[sflag:s21] =	ssyncadd.s32 $0xFFFFC000  }
0xbd: {  	_ =	swait.ge [sflag:s21], $0x4000  }
0xbe: {  	[sflag:s21] =	ssyncset.done $0x0  }
0xbf: {  	[sflag:s21] =	ssyncadd.s32 $0xFFFFC000  }
0xc0: {  	[spmem:s2] =	stream.indirect.scatter.add.f32 [tilespmem:s13], [sflag:$0x2], $0x80, s19, s22, $0xb8;
	[tilespmem:$0x18400] =	vst v63  }
0xc1: {  	_ =	swait.ge [sflag:s12], $0x800  }
0xc2: {  	s23 =	sadd.s32 $0x1, s23;
	[sflag:s12] =	ssyncset.done $0x0  }
0xc3: {  	p0 =	sne.s32 s23, s9;
	[sflag:s12] =	ssyncadd.s32 $0xFFFFF800  }
.Ltmp1:
0xc4: {  	[bflag:$0x0] =	sbarrier.arrive $0xFFFF;
	(pc) =	sbr.rel @p0 .LBB2_1-.Ltmp1, $4  }
0xc5: {  	[hbm:s8], [sflag:s6] =	dma.local [spmem:s11], $0x2800  }
0xc6: {  	_ =	swait.ge [sflag:s12], $0x2800  }
0xc7: {  	[sflag:s12] =	ssyncset.done $0x0  }
0xc8: {  	[sflag:s12] =	ssyncadd.s32 $0xFFFFD800  }
0xc9: {  	_ =	sfence.sel $0x180000  }
0xca: {  	[bflag:$0x0] =	sbarrier.arrive $0xFFFF  }
0xcb: {  	p0 =	sne.s32 s0, $0x0;
	_ =	strace $0x90000047  }
0xcc: {  	s0 =	sadd.s32 @!p0 $0x100000, s1;
	[bflag:$0x2] =	sbarrier.arrive $0xFFFF  }
0xcd: {  	[sflag:s0] =	ssyncadd.tile.s32 @!p0 $0x1;
	_ =	shalt  }
.Lfunc_end2:
_tile_overlayer_lowered:
.L_overlay_start_2:
0xce: {  	(tag) =	ssettag $0x2  }
0xcf: {  	s0 =	rddreg [dreg:$0x0];
	s2 =	stileid.u32  }
0xd0: {  	s1 =	rddreg [dreg:$0x1];
	p0 =	sne.s32 s2, $0x0  }
0xd1: {  	s3 =	rddreg [dreg:$0x2];
	[bflag:$0x3] =	sbarrier.arrive $0xFFFF;
	s2 =	simm.s32 @!p0 $0x1C02  }
0xd2: {  	[timem:s3], [sflag:s2] =	dma.local @!p0 [hbm:s0], s1  }
0xd3: {  	s0 =	simm.s32 @!p0 $0x2  }
0xd4: {  	_ =	swait.ge @!p0 [sflag:s0], s1  }
0xd5: {  	s1 =	ssub.s32 @!p0 $0x0, s1;
	[sflag:s0] =	ssyncset.done @!p0 $0x0  }
0xd6: {  	[sflag:s0] =	ssyncadd.s32 @!p0 s1  }
0xd7: {  	[bflag:$0x3] =	sbarrier.arrive $0xFFFF  }
0xd8: {  	_ =	shalt  }

</sc_bundles>
